<compile_context>
chip_gen: v7x
topology: tpu7x:2x2x1
jax: 0.10.2.dev20260603
libtpu: 0.0.44.dev20260713+nightly
codegen_flags: <defaults>
</compile_context>

<pallas_src>
import functools

import jax
import jax.numpy as jnp
from jax import lax
from jax.experimental import pallas as pl
from jax.experimental.pallas import tpu as pltpu
from jax.experimental.pallas import tpu_sc as plsc

N_NODES = 10000
N_EDGES = 320000
D = 128
LANES = 16
NC = 2
NS = 16
NW = NC * NS
PER_W = N_EDGES // NW
CHUNK = 40
N_CHUNKS = PER_W // CHUNK
NBUF = 2
N_CHUNKS_PAD = 256
ZCHUNKS = (N_NODES + CHUNK - 1) // CHUNK
ZROUNDS = (ZCHUNKS + NS - 1) // NS


def _sc_message_agg(node_feat, src2d, dst2d, edge_attr):
    mesh = plsc.VectorSubcoreMesh(core_axis_name="c", subcore_axis_name="s")

    @functools.partial(
        pl.kernel,
        out_type=jax.ShapeDtypeStruct((NC, N_NODES, D), jnp.float32),
        mesh=mesh,
        scratch_types=[
            pltpu.VMEM((N_CHUNKS_PAD * CHUNK,), jnp.int32),
            pltpu.VMEM((N_CHUNKS_PAD * CHUNK,), jnp.int32),
            pltpu.VMEM((NBUF, CHUNK, D), jnp.float32),
            pltpu.VMEM((NBUF, CHUNK, D), jnp.float32),
            pltpu.VMEM_SHARED((N_NODES, D), jnp.float32),
        ] + [pltpu.SemaphoreType.DMA] * (3 * NBUF),
    )
    def k(node_hbm, src_hbm, dst_hbm, ea_hbm, out_hbm,
          src_v, dst_v, rows_v, ea_v, agg_sh, *sems):
        cid = lax.axis_index("c")
        sid = lax.axis_index("s")
        wid = sid * NC + cid
        base = wid * PER_W
        sem_e = sems[0:NBUF]
        sem_g = sems[NBUF:2 * NBUF]
        sem_s = sems[2 * NBUF:3 * NBUF]

        pltpu.async_copy(src_hbm.at[wid], src_v, sem_s[0])
        pltpu.async_copy(dst_hbm.at[wid], dst_v, sem_s[1])

        @pl.loop(0, CHUNK)
        def _zfill(r):
            for kk in range(D // LANES):
                rows_v[0, r, pl.ds(kk * LANES, LANES)] = jnp.zeros(
                    (LANES,), jnp.float32)

        @pl.loop(0, ZROUNDS)
        def _zinit(i):
            c = i * NS + sid

            @pl.when(c < ZCHUNKS)
            def _():
                pltpu.sync_copy(rows_v.at[0],
                                agg_sh.at[pl.ds(c * CHUNK, CHUNK), :])

        pltpu.make_async_copy(src_hbm.at[wid], src_v, sem_s[0]).wait()
        pltpu.make_async_copy(dst_hbm.at[wid], dst_v, sem_s[1]).wait()
        plsc.subcore_barrier()

        def start(jg, jl, b):
            pltpu.async_copy(
                ea_hbm.at[pl.ds(base + jg * CHUNK, CHUNK), :], ea_v.at[b],
                sem_e[b])
            pltpu.async_copy(
                node_hbm.at[src_v.at[pl.ds(jl * CHUNK, CHUNK)]],
                rows_v.at[b], sem_g[b])

        def wait(jg, jl, b):
            pltpu.make_async_copy(
                ea_hbm.at[pl.ds(base + jg * CHUNK, CHUNK), :], ea_v.at[b],
                sem_e[b]).wait()
            pltpu.make_async_copy(
                node_hbm.at[src_v.at[pl.ds(jl * CHUNK, CHUNK)]],
                rows_v.at[b], sem_g[b]).wait()

        def wait_scatter(jl, b):
            pltpu.make_async_copy(
                rows_v.at[b],
                agg_sh.at[dst_v.at[pl.ds(jl * CHUNK, CHUNK)]],
                sem_s[b]).wait()

        def body(tl, b):
            wait(tl, tl, b)
            b1 = (b + 1) % NBUF

            @pl.when(tl >= 1)
            def _():
                wait_scatter(tl - 1, b1)

            @pl.when(tl + 1 < N_CHUNKS)
            def _():
                start(tl + 1, tl + 1, b1)

            @pl.loop(0, CHUNK)
            def _msg(r):
                for kk in range(D // LANES):
                    sl = pl.ds(kk * LANES, LANES)
                    rows_v[b, r, sl] = jnp.maximum(
                        rows_v[b, r, sl] + ea_v[b, r, sl], 0.0)

            pltpu.async_copy(
                rows_v.at[b],
                agg_sh.at[dst_v.at[pl.ds(tl * CHUNK, CHUNK)]],
                sem_s[b], add=True)

        start(0, 0, 0)

        @pl.loop(0, N_CHUNKS, step=NBUF)
        def _grp(g):
            for b in range(NBUF):
                body(g + b, b)

        wait_scatter(N_CHUNKS - 1, (N_CHUNKS - 1) % NBUF)

        plsc.subcore_barrier()

        @pl.loop(0, ZROUNDS)
        def _dump(i):
            c = i * NS + sid

            @pl.when(c < ZCHUNKS)
            def _():
                pltpu.sync_copy(agg_sh.at[pl.ds(c * CHUNK, CHUNK), :],
                                out_hbm.at[cid, pl.ds(c * CHUNK, CHUNK), :])

    return k(node_feat, src2d, dst2d, edge_attr)


def _tc_mlp(x, partials, W1, b1, W2, b2):
    n = x.shape[0]
    blk = 1000
    grid = n // blk

    def body(x_ref, p_ref, w1_ref, b1_ref, w2_ref, b2_ref, o_ref):
        h = x_ref[...] + p_ref[0] + p_ref[1]
        h1 = jnp.dot(h.astype(jnp.bfloat16), w1_ref[...],
                     preferred_element_type=jnp.float32)
        h1 = jnp.maximum(h1 + b1_ref[...], 0.0)
        h2 = jnp.dot(h1.astype(jnp.bfloat16), w2_ref[...],
                     preferred_element_type=jnp.float32)
        o_ref[...] = jnp.maximum(h2 + b2_ref[...], 0.0)

    return pl.pallas_call(
        body,
        grid=(grid,),
        in_specs=[
            pl.BlockSpec((blk, D), lambda i: (i, 0)),
            pl.BlockSpec((NC, blk, D), lambda i: (0, i, 0)),
            pl.BlockSpec((D, 2 * D), lambda i: (0, 0)),
            pl.BlockSpec((1, 2 * D), lambda i: (0, 0)),
            pl.BlockSpec((2 * D, D), lambda i: (0, 0)),
            pl.BlockSpec((1, D), lambda i: (0, 0)),
        ],
        out_specs=pl.BlockSpec((blk, D), lambda i: (i, 0)),
        out_shape=jax.ShapeDtypeStruct((n, D), jnp.float32),
    )(x, partials, W1.astype(jnp.bfloat16), b1.reshape(1, -1),
      W2.astype(jnp.bfloat16), b2.reshape(1, -1))


def kernel(node_feat, edge_index, edge_attr, W1, b1, W2, b2):
    pad = ((0, 0), (0, (N_CHUNKS_PAD - N_CHUNKS) * CHUNK))
    src = jnp.pad(edge_index[0].astype(jnp.int32).reshape(NW, PER_W), pad)
    dst = jnp.pad(edge_index[1].astype(jnp.int32).reshape(NW, PER_W), pad)
    partials = _sc_message_agg(node_feat, src, dst, edge_attr)
    return _tc_mlp(node_feat, partials, W1, b1, W2, b2)

# --- scband reference (transcript-rebuilt; emitter-appended) ---
"""Pipeline reference for scband-gnnblock-25709674233976 (READ-ONLY COPY).

The authoritative reference and input builder live on the scoring server;
editing this copy changes nothing except your own understanding.
"""

import jax, jax.numpy as jnp
import numpy as np

N_NODES = 10000
N_EDGES = 320000
D = 128


def setup_inputs(seed: int = 0) -> dict:
    key = jax.random.key(seed)
    k1, k2, k3, k4, k5, k6, k7 = jax.random.split(key, 7)
    node_feat = jax.random.normal(k1, (N_NODES, D), dtype=jnp.float32)
    edge_index = jax.random.randint(k2, (2, N_EDGES), 0, N_NODES, dtype=jnp.int64)
    edge_attr = jax.random.normal(k3, (N_EDGES, D), dtype=jnp.float32)
    # MLP params: Linear(D, 2D) -> ReLU -> Linear(2D, D)
    W1 = jax.random.normal(k4, (D, 2 * D), dtype=jnp.float32) * (1.0 / np.sqrt(D))
    b1 = jnp.zeros((2 * D,), dtype=jnp.float32)
    W2 = jax.random.normal(k5, (2 * D, D), dtype=jnp.float32) * (1.0 / np.sqrt(2 * D))
    b2 = jnp.zeros((D,), dtype=jnp.float32)
    return {
        "node_feat": node_feat,
        "edge_index": edge_index,
        "edge_attr": edge_attr,
        "W1": W1,
        "b1": b1,
        "W2": W2,
        "b2": b2,
    }


def reference(node_feat, edge_index, edge_attr, W1, b1, W2, b2):
    # GINEConv (eps=0, sum aggregation):
    #   m_ij = ReLU(x_j + e_ij) for edge j->i
    #   agg_i = sum_j m_ij
    #   out = MLP((1 + eps) * x_i + agg_i)
    src = edge_index[0]
    dst = edge_index[1]
    msg = jax.nn.relu(jnp.take(node_feat, src, axis=0) + edge_attr)
    agg = jax.ops.segment_sum(msg, dst, num_segments=node_feat.shape[0])
    h = node_feat + agg  # (1 + eps) * x with eps = 0
    h = jax.nn.relu(h @ W1 + b1) @ W2 + b2
    return jax.nn.relu(h)

if __name__ == "__main__":
    import jax
    _d = setup_inputs()
    print(jax.jit(kernel)(*tuple(_d.values())))

</pallas_src>

<mosaic_0001>
#map = affine_map<(d0, d1) -> (0, 0)>
#map1 = affine_map<(d0, d1) -> (0, 0, 0)>
module attributes {stable_mosaic.version = 14 : i64} {
  func.func @k(%arg0: i32, %arg1: i32, %arg2: memref<10000x128xf32, #tpu.memory_space<hbm>>, %arg3: memref<32x10240xi32, #tpu.memory_space<hbm>>, %arg4: memref<32x10240xi32, #tpu.memory_space<hbm>>, %arg5: memref<320000x128xf32, #tpu.memory_space<hbm>>, %arg6: memref<2x10000x128xf32, #tpu.memory_space<hbm>>, %arg7: memref<10240xi32, #tpu.memory_space<vmem>>, %arg8: memref<10240xi32, #tpu.memory_space<vmem>>, %arg9: memref<2x40x128xf32, #tpu.memory_space<vmem>>, %arg10: memref<2x40x128xf32, #tpu.memory_space<vmem>>, %arg11: memref<10000x128xf32, #tpu.memory_space<vmem_shared>>, %arg12: memref<!tpu.dma_semaphore, #tpu.memory_space<semaphore_mem>>, %arg13: memref<!tpu.dma_semaphore, #tpu.memory_space<semaphore_mem>>, %arg14: memref<!tpu.dma_semaphore, #tpu.memory_space<semaphore_mem>>, %arg15: memref<!tpu.dma_semaphore, #tpu.memory_space<semaphore_mem>>, %arg16: memref<!tpu.dma_semaphore, #tpu.memory_space<semaphore_mem>>, %arg17: memref<!tpu.dma_semaphore, #tpu.memory_space<semaphore_mem>>) attributes {dimension_semantics = [#tpu.dimension_semantics<core_parallel>, #tpu.dimension_semantics<subcore_parallel>], iteration_bounds = array<i64: 2, 16>, scalar_prefetch = 0 : i64, scratch_operands = 11 : i64, tpu.core_type = #tpu.core_type<sc_vector_subcore>, window_params = [{transform_indices = #map}, {transform_indices = #map}, {transform_indices = #map}, {transform_indices = #map}, {transform_indices = #map1}]} {
    %mul3A = arith.constant 2 : i32
    %mul3A_0 = arith.muli %arg1, %mul3A : i32
    %add3A = arith.addi %mul3A_0, %arg0 : i32
    %mul3A_1 = arith.constant 10000 : i32
    %mul3A_2 = arith.muli %add3A, %mul3A_1 : i32
    %dma_start3A = arith.constant 0 : i32
    %dma_start3A_3 = tpu.memref_slice %arg3[%add3A, %dma_start3A] : memref<32x10240xi32, #tpu.memory_space<hbm>> -> memref<1x10240xi32, #tpu.memory_space<hbm>>
    %dma_start3A_4 = tpu.memref_squeeze %dma_start3A_3 : memref<1x10240xi32, #tpu.memory_space<hbm>> -> memref<10240xi32, #tpu.memory_space<hbm>>
    %dma_start3A_5 = arith.constant 0 : i32
    %dma_start3A_6 = tpu.memref_slice %arg3[%add3A, %dma_start3A_5] : memref<32x10240xi32, #tpu.memory_space<hbm>> -> memref<1x10240xi32, #tpu.memory_space<hbm>>
    %dma_start3A_7 = tpu.memref_squeeze %dma_start3A_6 : memref<1x10240xi32, #tpu.memory_space<hbm>> -> memref<10240xi32, #tpu.memory_space<hbm>>
    tpu.enqueue_dma source(%dma_start3A_7 : memref<10240xi32, #tpu.memory_space<hbm>>) target(%arg7 : memref<10240xi32, #tpu.memory_space<vmem>>) target_semaphore(%arg16 : memref<!tpu.dma_semaphore, #tpu.memory_space<semaphore_mem>>)
    %dma_start3A_8 = arith.constant 0 : i32
    %dma_start3A_9 = tpu.memref_slice %arg4[%add3A, %dma_start3A_8] : memref<32x10240xi32, #tpu.memory_space<hbm>> -> memref<1x10240xi32, #tpu.memory_space<hbm>>
    %dma_start3A_10 = tpu.memref_squeeze %dma_start3A_9 : memref<1x10240xi32, #tpu.memory_space<hbm>> -> memref<10240xi32, #tpu.memory_space<hbm>>
    %dma_start3A_11 = arith.constant 0 : i32
    %dma_start3A_12 = tpu.memref_slice %arg4[%add3A, %dma_start3A_11] : memref<32x10240xi32, #tpu.memory_space<hbm>> -> memref<1x10240xi32, #tpu.memory_space<hbm>>
    %dma_start3A_13 = tpu.memref_squeeze %dma_start3A_12 : memref<1x10240xi32, #tpu.memory_space<hbm>> -> memref<10240xi32, #tpu.memory_space<hbm>>
    tpu.enqueue_dma source(%dma_start3A_13 : memref<10240xi32, #tpu.memory_space<hbm>>) target(%arg8 : memref<10240xi32, #tpu.memory_space<vmem>>) target_semaphore(%arg17 : memref<!tpu.dma_semaphore, #tpu.memory_space<semaphore_mem>>)
    %scan3A = arith.constant 0 : i32
    %scan3A_14 = arith.constant 40 : i32
    %scan3A_15 = arith.addi %scan3A, %scan3A_14 : i32
    %scan3A_16 = arith.constant 1 : i32
    scf.for %scan3A_80 = %scan3A to %scan3A_15 step %scan3A_16  : i32 {
      %mul3A_81 = arith.constant 1 : i32
      %mul3A_82 = arith.muli %scan3A_80, %mul3A_81 : i32
      %add3A_83 = arith.constant 0 : i32
      %add3A_84 = arith.addi %add3A_83, %mul3A_82 : i32
      %broadcast_in_dim3A = arith.constant 0.000000e+00 : f32
      %broadcast_in_dim3A_85 = vector.broadcast %broadcast_in_dim3A : f32 to vector<16xf32>
      %swap3A = arith.constant 0 : i32
      %swap3A_86 = arith.index_cast %swap3A : i32 to index
      %swap3A_87 = arith.index_cast %add3A_84 : i32 to index
      %swap3A_88 = arith.constant 0 : index
      %swap3A_89 = tpu.vector_load %arg9[%swap3A_86, %swap3A_87, %swap3A_88] {strides = array<i32>} : memref<2x40x128xf32, #tpu.memory_space<vmem>>, vector<1x1x16xf32>,
      %swap3A_90 = vector.shape_cast %swap3A_89 : vector<1x1x16xf32> to vector<16xf32>
      %swap3A_91 = vector.shape_cast %broadcast_in_dim3A_85 : vector<16xf32> to vector<1x1x16xf32>
      tpu.vector_store %arg9[%swap3A_86, %swap3A_87, %swap3A_88], %swap3A_91 {strides = array<i32>} : memref<2x40x128xf32, #tpu.memory_space<vmem>>, vector<1x1x16xf32>,
      %broadcast_in_dim3A_92 = arith.constant 0.000000e+00 : f32
      %broadcast_in_dim3A_93 = vector.broadcast %broadcast_in_dim3A_92 : f32 to vector<16xf32>
      %swap3A_94 = arith.constant 0 : i32
      %swap3A_95 = arith.index_cast %swap3A_94 : i32 to index
      %swap3A_96 = arith.index_cast %add3A_84 : i32 to index
      %swap3A_97 = arith.constant 16 : index
      %swap3A_98 = tpu.vector_load %arg9[%swap3A_95, %swap3A_96, %swap3A_97] {strides = array<i32>} : memref<2x40x128xf32, #tpu.memory_space<vmem>>, vector<1x1x16xf32>,
      %swap3A_99 = vector.shape_cast %swap3A_98 : vector<1x1x16xf32> to vector<16xf32>
      %swap3A_100 = vector.shape_cast %broadcast_in_dim3A_93 : vector<16xf32> to vector<1x1x16xf32>
      tpu.vector_store %arg9[%swap3A_95, %swap3A_96, %swap3A_97], %swap3A_100 {strides = array<i32>} : memref<2x40x128xf32, #tpu.memory_space<vmem>>, vector<1x1x16xf32>,
      %broadcast_in_dim3A_101 = arith.constant 0.000000e+00 : f32
      %broadcast_in_dim3A_102 = vector.broadcast %broadcast_in_dim3A_101 : f32 to vector<16xf32>
      %swap3A_103 = arith.constant 0 : i32
      %swap3A_104 = arith.index_cast %swap3A_103 : i32 to index
      %swap3A_105 = arith.index_cast %add3A_84 : i32 to index
      %swap3A_106 = arith.constant 32 : index
      %swap3A_107 = tpu.vector_load %arg9[%swap3A_104, %swap3A_105, %swap3A_106] {strides = array<i32>} : memref<2x40x128xf32, #tpu.memory_space<vmem>>, vector<1x1x16xf32>,
      %swap3A_108 = vector.shape_cast %swap3A_107 : vector<1x1x16xf32> to vector<16xf32>
      %swap3A_109 = vector.shape_cast %broadcast_in_dim3A_102 : vector<16xf32> to vector<1x1x16xf32>
      tpu.vector_store %arg9[%swap3A_104, %swap3A_105, %swap3A_106], %swap3A_109 {strides = array<i32>} : memref<2x40x128xf32, #tpu.memory_space<vmem>>, vector<1x1x16xf32>,
      %broadcast_in_dim3A_110 = arith.constant 0.000000e+00 : f32
      %broadcast_in_dim3A_111 = vector.broadcast %broadcast_in_dim3A_110 : f32 to vector<16xf32>
      %swap3A_112 = arith.constant 0 : i32
      %swap3A_113 = arith.index_cast %swap3A_112 : i32 to index
      %swap3A_114 = arith.index_cast %add3A_84 : i32 to index
      %swap3A_115 = arith.constant 48 : index
      %swap3A_116 = tpu.vector_load %arg9[%swap3A_113, %swap3A_114, %swap3A_115] {strides = array<i32>} : memref<2x40x128xf32, #tpu.memory_space<vmem>>, vector<1x1x16xf32>,
      %swap3A_117 = vector.shape_cast %swap3A_116 : vector<1x1x16xf32> to vector<16xf32>
      %swap3A_118 = vector.shape_cast %broadcast_in_dim3A_111 : vector<16xf32> to vector<1x1x16xf32>
      tpu.vector_store %arg9[%swap3A_113, %swap3A_114, %swap3A_115], %swap3A_118 {strides = array<i32>} : memref<2x40x128xf32, #tpu.memory_space<vmem>>, vector<1x1x16xf32>,
      %broadcast_in_dim3A_119 = arith.constant 0.000000e+00 : f32
      %broadcast_in_dim3A_120 = vector.broadcast %broadcast_in_dim3A_119 : f32 to vector<16xf32>
      %swap3A_121 = arith.constant 0 : i32
      %swap3A_122 = arith.index_cast %swap3A_121 : i32 to index
      %swap3A_123 = arith.index_cast %add3A_84 : i32 to index
      %swap3A_124 = arith.constant 64 : index
      %swap3A_125 = tpu.vector_load %arg9[%swap3A_122, %swap3A_123, %swap3A_124] {strides = array<i32>} : memref<2x40x128xf32, #tpu.memory_space<vmem>>, vector<1x1x16xf32>,
      %swap3A_126 = vector.shape_cast %swap3A_125 : vector<1x1x16xf32> to vector<16xf32>
      %swap3A_127 = vector.shape_cast %broadcast_in_dim3A_120 : vector<16xf32> to vector<1x1x16xf32>
      tpu.vector_store %arg9[%swap3A_122, %swap3A_123, %swap3A_124], %swap3A_127 {strides = array<i32>} : memref<2x40x128xf32, #tpu.memory_space<vmem>>, vector<1x1x16xf32>,
      %broadcast_in_dim3A_128 = arith.constant 0.000000e+00 : f32
      %broadcast_in_dim3A_129 = vector.broadcast %broadcast_in_dim3A_128 : f32 to vector<16xf32>
      %swap3A_130 = arith.constant 0 : i32
      %swap3A_131 = arith.index_cast %swap3A_130 : i32 to index
      %swap3A_132 = arith.index_cast %add3A_84 : i32 to index
      %swap3A_133 = arith.constant 80 : index
      %swap3A_134 = tpu.vector_load %arg9[%swap3A_131, %swap3A_132, %swap3A_133] {strides = array<i32>} : memref<2x40x128xf32, #tpu.memory_space<vmem>>, vector<1x1x16xf32>,
      %swap3A_135 = vector.shape_cast %swap3A_134 : vector<1x1x16xf32> to vector<16xf32>
      %swap3A_136 = vector.shape_cast %broadcast_in_dim3A_129 : vector<16xf32> to vector<1x1x16xf32>
      tpu.vector_store %arg9[%swap3A_131, %swap3A_132, %swap3A_133], %swap3A_136 {strides = array<i32>} : memref<2x40x128xf32, #tpu.memory_space<vmem>>, vector<1x1x16xf32>,
      %broadcast_in_dim3A_137 = arith.constant 0.000000e+00 : f32
      %broadcast_in_dim3A_138 = vector.broadcast %broadcast_in_dim3A_137 : f32 to vector<16xf32>
      %swap3A_139 = arith.constant 0 : i32
      %swap3A_140 = arith.index_cast %swap3A_139 : i32 to index
      %swap3A_141 = arith.index_cast %add3A_84 : i32 to index
      %swap3A_142 = arith.constant 96 : index
      %swap3A_143 = tpu.vector_load %arg9[%swap3A_140, %swap3A_141, %swap3A_142] {strides = array<i32>} : memref<2x40x128xf32, #tpu.memory_space<vmem>>, vector<1x1x16xf32>,
      %swap3A_144 = vector.shape_cast %swap3A_143 : vector<1x1x16xf32> to vector<16xf32>
      %swap3A_145 = vector.shape_cast %broadcast_in_dim3A_138 : vector<16xf32> to vector<1x1x16xf32>
      tpu.vector_store %arg9[%swap3A_140, %swap3A_141, %swap3A_142], %swap3A_145 {strides = array<i32>} : memref<2x40x128xf32, #tpu.memory_space<vmem>>, vector<1x1x16xf32>,
      %broadcast_in_dim3A_146 = arith.constant 0.000000e+00 : f32
      %broadcast_in_dim3A_147 = vector.broadcast %broadcast_in_dim3A_146 : f32 to vector<16xf32>
      %swap3A_148 = arith.constant 0 : i32
      %swap3A_149 = arith.index_cast %swap3A_148 : i32 to index
      %swap3A_150 = arith.index_cast %add3A_84 : i32 to index
      %swap3A_151 = arith.constant 112 : index
      %swap3A_152 = tpu.vector_load %arg9[%swap3A_149, %swap3A_150, %swap3A_151] {strides = array<i32>} : memref<2x40x128xf32, #tpu.memory_space<vmem>>, vector<1x1x16xf32>,
      %swap3A_153 = vector.shape_cast %swap3A_152 : vector<1x1x16xf32> to vector<16xf32>
      %swap3A_154 = vector.shape_cast %broadcast_in_dim3A_147 : vector<16xf32> to vector<1x1x16xf32>
      tpu.vector_store %arg9[%swap3A_149, %swap3A_150, %swap3A_151], %swap3A_154 {strides = array<i32>} : memref<2x40x128xf32, #tpu.memory_space<vmem>>, vector<1x1x16xf32>,
    }
    %scan3A_17 = arith.constant 40 : i32
    %scan3A_18 = arith.constant 0 : i32
    %scan3A_19 = arith.constant 16 : i32
    %scan3A_20 = arith.addi %scan3A_18, %scan3A_19 : i32
    %scan3A_21 = arith.constant 1 : i32
    scf.for %scan3A_80 = %scan3A_18 to %scan3A_20 step %scan3A_21  : i32 {
      %mul3A_81 = arith.constant 1 : i32
      %mul3A_82 = arith.muli %scan3A_80, %mul3A_81 : i32
      %add3A_83 = arith.constant 0 : i32
      %add3A_84 = arith.addi %add3A_83, %mul3A_82 : i32
      %mul3A_85 = arith.constant 16 : i32
      %mul3A_86 = arith.muli %add3A_84, %mul3A_85 : i32
      %add3A_87 = arith.addi %mul3A_86, %arg1 : i32
      %lt3A = arith.constant 250 : i32
      %lt3A_88 = arith.cmpi slt, %add3A_87, %lt3A : i32
      %convert_element_type3A = arith.extui %lt3A_88 : i1 to i32
      %cond3A = arith.constant 0 : i32
      %cond3A_89 = arith.cmpi ne, %convert_element_type3A, %cond3A : i32
      scf.if %cond3A_89 {
        %mul3A_90 = arith.constant 40 : i32
        %mul3A_91 = arith.muli %add3A_87, %mul3A_90 : i32
        %run_scoped3A = arith.constant 0 : i32
        "tpu.region"() ({
          %run_scoped3A_92 = tpu.sem_alloc : memref<!tpu.dma_semaphore, #tpu.memory_space<semaphore_mem>>
          %dma_start3A_93 = arith.constant 0 : i32
          %dma_start3A_94 = arith.constant 0 : i32
          %dma_start3A_95 = tpu.memref_slice %arg9[%run_scoped3A, %dma_start3A_93, %dma_start3A_94] : memref<2x40x128xf32, #tpu.memory_space<vmem>> -> memref<1x40x128xf32, #tpu.memory_space<vmem>>
          %dma_start3A_96 = tpu.memref_squeeze %dma_start3A_95 : memref<1x40x128xf32, #tpu.memory_space<vmem>> -> memref<40x128xf32, #tpu.memory_space<vmem>>
          %dma_start3A_97 = arith.constant 0 : i32
          %dma_start3A_98 = tpu.memref_slice %arg11[%mul3A_91, %dma_start3A_97] : memref<10000x128xf32, #tpu.memory_space<vmem_shared>> -> memref<40x128xf32, #tpu.memory_space<vmem_shared>>
          %dma_start3A_99 = arith.constant 0 : i32
          %dma_start3A_100 = tpu.memref_slice %arg11[%mul3A_91, %dma_start3A_99] : memref<10000x128xf32, #tpu.memory_space<vmem_shared>> -> memref<40x128xf32, #tpu.memory_space<vmem_shared>>
          %dma_start3A_101 = arith.constant 0 : i32
          %dma_start3A_102 = arith.constant 0 : i32
          %dma_start3A_103 = tpu.memref_slice %arg9[%run_scoped3A, %dma_start3A_101, %dma_start3A_102] : memref<2x40x128xf32, #tpu.memory_space<vmem>> -> memref<1x40x128xf32, #tpu.memory_space<vmem>>
          %dma_start3A_104 = tpu.memref_squeeze %dma_start3A_103 : memref<1x40x128xf32, #tpu.memory_space<vmem>> -> memref<40x128xf32, #tpu.memory_space<vmem>>
          tpu.enqueue_dma source(%dma_start3A_104 : memref<40x128xf32, #tpu.memory_space<vmem>>) target(%dma_start3A_100 : memref<40x128xf32, #tpu.memory_space<vmem_shared>>) target_semaphore(%run_scoped3A_92 : memref<!tpu.dma_semaphore, #tpu.memory_space<semaphore_mem>>)
          %dma_wait3A_105 = arith.constant 0 : i32
          %dma_wait3A_106 = arith.constant 0 : i32
          %dma_wait3A_107 = tpu.memref_slice %arg9[%run_scoped3A, %dma_wait3A_105, %dma_wait3A_106] : memref<2x40x128xf32, #tpu.memory_space<vmem>> -> memref<1x40x128xf32, #tpu.memory_space<vmem>>
          %dma_wait3A_108 = tpu.memref_squeeze %dma_wait3A_107 : memref<1x40x128xf32, #tpu.memory_space<vmem>> -> memref<40x128xf32, #tpu.memory_space<vmem>>
          %dma_wait3A_109 = arith.constant 0 : i32
          %dma_wait3A_110 = tpu.memref_slice %arg11[%mul3A_91, %dma_wait3A_109] : memref<10000x128xf32, #tpu.memory_space<vmem_shared>> -> memref<40x128xf32, #tpu.memory_space<vmem_shared>>
          %dma_wait3A_111 = arith.constant 0 : i32
          %dma_wait3A_112 = tpu.memref_slice %arg11[%mul3A_91, %dma_wait3A_111] : memref<10000x128xf32, #tpu.memory_space<vmem_shared>> -> memref<40x128xf32, #tpu.memory_space<vmem_shared>>
          %dma_wait3A_113 = arith.constant 0 : i32
          %dma_wait3A_114 = arith.constant 0 : i32
          %dma_wait3A_115 = tpu.memref_slice %arg9[%run_scoped3A, %dma_wait3A_113, %dma_wait3A_114] : memref<2x40x128xf32, #tpu.memory_space<vmem>> -> memref<1x40x128xf32, #tpu.memory_space<vmem>>
          %dma_wait3A_116 = tpu.memref_squeeze %dma_wait3A_115 : memref<1x40x128xf32, #tpu.memory_space<vmem>> -> memref<40x128xf32, #tpu.memory_space<vmem>>
          tpu.wait_dma2 semaphore(%run_scoped3A_92 : memref<!tpu.dma_semaphore, #tpu.memory_space<semaphore_mem>>) src(%dma_wait3A_116 : memref<40x128xf32, #tpu.memory_space<vmem>>) dst(%dma_wait3A_112 : memref<40x128xf32, #tpu.memory_space<vmem_shared>>)
          tpu.yield
        }) : () -> ()
      } else {
      }
    }
    %scan3A_22 = arith.constant 16 : i32
    %dma_wait3A = arith.constant 0 : i32
    %dma_wait3A_23 = tpu.memref_slice %arg3[%add3A, %dma_wait3A] : memref<32x10240xi32, #tpu.memory_space<hbm>> -> memref<1x10240xi32, #tpu.memory_space<hbm>>
    %dma_wait3A_24 = tpu.memref_squeeze %dma_wait3A_23 : memref<1x10240xi32, #tpu.memory_space<hbm>> -> memref<10240xi32, #tpu.memory_space<hbm>>
    %dma_wait3A_25 = arith.constant 0 : i32
    %dma_wait3A_26 = tpu.memref_slice %arg3[%add3A, %dma_wait3A_25] : memref<32x10240xi32, #tpu.memory_space<hbm>> -> memref<1x10240xi32, #tpu.memory_space<hbm>>
    %dma_wait3A_27 = tpu.memref_squeeze %dma_wait3A_26 : memref<1x10240xi32, #tpu.memory_space<hbm>> -> memref<10240xi32, #tpu.memory_space<hbm>>
    tpu.wait_dma2 semaphore(%arg16 : memref<!tpu.dma_semaphore, #tpu.memory_space<semaphore_mem>>) src(%dma_wait3A_27 : memref<10240xi32, #tpu.memory_space<hbm>>) dst(%arg7 : memref<10240xi32, #tpu.memory_space<vmem>>)
    %dma_wait3A_28 = arith.constant 0 : i32
    %dma_wait3A_29 = tpu.memref_slice %arg4[%add3A, %dma_wait3A_28] : memref<32x10240xi32, #tpu.memory_space<hbm>> -> memref<1x10240xi32, #tpu.memory_space<hbm>>
    %dma_wait3A_30 = tpu.memref_squeeze %dma_wait3A_29 : memref<1x10240xi32, #tpu.memory_space<hbm>> -> memref<10240xi32, #tpu.memory_space<hbm>>
    %dma_wait3A_31 = arith.constant 0 : i32
    %dma_wait3A_32 = tpu.memref_slice %arg4[%add3A, %dma_wait3A_31] : memref<32x10240xi32, #tpu.memory_space<hbm>> -> memref<1x10240xi32, #tpu.memory_space<hbm>>
    %dma_wait3A_33 = tpu.memref_squeeze %dma_wait3A_32 : memref<1x10240xi32, #tpu.memory_space<hbm>> -> memref<10240xi32, #tpu.memory_space<hbm>>
    tpu.wait_dma2 semaphore(%arg17 : memref<!tpu.dma_semaphore, #tpu.memory_space<semaphore_mem>>) src(%dma_wait3A_33 : memref<10240xi32, #tpu.memory_space<hbm>>) dst(%arg8 : memref<10240xi32, #tpu.memory_space<vmem>>)
    %barrier3A = arith.constant 0 : index
    tpu.barrier barrier_id(%barrier3A)
    %add3A_34 = arith.constant 0 : i32
    %add3A_35 = arith.addi %mul3A_2, %add3A_34 : i32
    %dma_start3A_36 = arith.constant 0 : i32
    %dma_start3A_37 = arith.constant 0 : i32
    %dma_start3A_38 = arith.constant 0 : i32
    %dma_start3A_39 = tpu.memref_slice %arg10[%dma_start3A_36, %dma_start3A_37, %dma_start3A_38] : memref<2x40x128xf32, #tpu.memory_space<vmem>> -> memref<1x40x128xf32, #tpu.memory_space<vmem>>
    %dma_start3A_40 = tpu.memref_squeeze %dma_start3A_39 : memref<1x40x128xf32, #tpu.memory_space<vmem>> -> memref<40x128xf32, #tpu.memory_space<vmem>>
    %dma_start3A_41 = arith.constant 0 : i32
    %dma_start3A_42 = tpu.memref_slice %arg5[%add3A_35, %dma_start3A_41] : memref<320000x128xf32, #tpu.memory_space<hbm>> -> memref<40x128xf32, #tpu.memory_space<hbm>>
    %dma_start3A_43 = arith.constant 0 : i32
    %dma_start3A_44 = arith.constant 0 : i32
    %dma_start3A_45 = tpu.memref_slice %arg10[%dma_start3A_36, %dma_start3A_43, %dma_start3A_44] : memref<2x40x128xf32, #tpu.memory_space<vmem>> -> memref<1x40x128xf32, #tpu.memory_space<vmem>>
    %dma_start3A_46 = tpu.memref_squeeze %dma_start3A_45 : memref<1x40x128xf32, #tpu.memory_space<vmem>> -> memref<40x128xf32, #tpu.memory_space<vmem>>
    %dma_start3A_47 = arith.constant 0 : i32
    %dma_start3A_48 = tpu.memref_slice %arg5[%add3A_35, %dma_start3A_47] : memref<320000x128xf32, #tpu.memory_space<hbm>> -> memref<40x128xf32, #tpu.memory_space<hbm>>
    tpu.enqueue_dma source(%dma_start3A_48 : memref<40x128xf32, #tpu.memory_space<hbm>>) target(%dma_start3A_46 : memref<40x128xf32, #tpu.memory_space<vmem>>) target_semaphore(%arg12 : memref<!tpu.dma_semaphore, #tpu.memory_space<semaphore_mem>>)
    %dma_start3A_49 = arith.constant 0 : i32
    %dma_start3A_50 = arith.constant 0 : i32
    %dma_start3A_51 = arith.constant 0 : i32
    %dma_start3A_52 = tpu.memref_slice %arg9[%dma_start3A_49, %dma_start3A_50, %dma_start3A_51] : memref<2x40x128xf32, #tpu.memory_space<vmem>> -> memref<1x40x128xf32, #tpu.memory_space<vmem>>
    %dma_start3A_53 = tpu.memref_squeeze %dma_start3A_52 : memref<1x40x128xf32, #tpu.memory_space<vmem>> -> memref<40x128xf32, #tpu.memory_space<vmem>>
    %dma_start3A_54 = arith.constant 0 : i32
    %dma_start3A_55 = tpu.memref_slice %arg7[%dma_start3A_54] : memref<10240xi32, #tpu.memory_space<vmem>> -> memref<40xi32, #tpu.memory_space<vmem>>
    %dma_start3A_56 = arith.constant 0 : i32
    %dma_start3A_57 = arith.constant 0 : i32
    %dma_start3A_58 = tpu.memref_slice %arg2[%dma_start3A_56, %dma_start3A_57] : memref<10000x128xf32, #tpu.memory_space<hbm>> -> memref<10000x128xf32, #tpu.memory_space<hbm>>
    tpu.enqueue_indirect_dma source(%dma_start3A_58 : memref<10000x128xf32, #tpu.memory_space<hbm>>) target(%dma_start3A_53 : memref<40x128xf32, #tpu.memory_space<vmem>>) offsets(%dma_start3A_55 : memref<40xi32, #tpu.memory_space<vmem>>) semaphore(%arg14 : memref<!tpu.dma_semaphore, #tpu.memory_space<semaphore_mem>>)
    %scan3A_59 = arith.constant 0 : i32
    %scan3A_60 = arith.constant 125 : i32
    %scan3A_61 = arith.addi %scan3A_59, %scan3A_60 : i32
    %scan3A_62 = arith.constant 1 : i32
    scf.for %scan3A_80 = %scan3A_59 to %scan3A_61 step %scan3A_62  : i32 {
      %mul3A_81 = arith.constant 2 : i32
      %mul3A_82 = arith.muli %scan3A_80, %mul3A_81 : i32
      %add3A_83 = arith.constant 0 : i32
      %add3A_84 = arith.addi %add3A_83, %mul3A_82 : i32
      %add3A_85 = arith.constant 0 : i32
      %add3A_86 = arith.addi %add3A_84, %add3A_85 : i32
      %mul3A_87 = arith.constant 40 : i32
      %mul3A_88 = arith.muli %add3A_86, %mul3A_87 : i32
      %add3A_89 = arith.addi %mul3A_2, %mul3A_88 : i32
      %dma_wait3A_90 = arith.constant 0 : i32
      %dma_wait3A_91 = arith.constant 0 : i32
      %dma_wait3A_92 = arith.constant 0 : i32
      %dma_wait3A_93 = tpu.memref_slice %arg10[%dma_wait3A_90, %dma_wait3A_91, %dma_wait3A_92] : memref<2x40x128xf32, #tpu.memory_space<vmem>> -> memref<1x40x128xf32, #tpu.memory_space<vmem>>
      %dma_wait3A_94 = tpu.memref_squeeze %dma_wait3A_93 : memref<1x40x128xf32, #tpu.memory_space<vmem>> -> memref<40x128xf32, #tpu.memory_space<vmem>>
      %dma_wait3A_95 = arith.constant 0 : i32
      %dma_wait3A_96 = tpu.memref_slice %arg5[%add3A_89, %dma_wait3A_95] : memref<320000x128xf32, #tpu.memory_space<hbm>> -> memref<40x128xf32, #tpu.memory_space<hbm>>
      %dma_wait3A_97 = arith.constant 0 : i32
      %dma_wait3A_98 = arith.constant 0 : i32
      %dma_wait3A_99 = tpu.memref_slice %arg10[%dma_wait3A_90, %dma_wait3A_97, %dma_wait3A_98] : memref<2x40x128xf32, #tpu.memory_space<vmem>> -> memref<1x40x128xf32, #tpu.memory_space<vmem>>
      %dma_wait3A_100 = tpu.memref_squeeze %dma_wait3A_99 : memref<1x40x128xf32, #tpu.memory_space<vmem>> -> memref<40x128xf32, #tpu.memory_space<vmem>>
      %dma_wait3A_101 = arith.constant 0 : i32
      %dma_wait3A_102 = tpu.memref_slice %arg5[%add3A_89, %dma_wait3A_101] : memref<320000x128xf32, #tpu.memory_space<hbm>> -> memref<40x128xf32, #tpu.memory_space<hbm>>
      tpu.wait_dma2 semaphore(%arg12 : memref<!tpu.dma_semaphore, #tpu.memory_space<semaphore_mem>>) src(%dma_wait3A_102 : memref<40x128xf32, #tpu.memory_space<hbm>>) dst(%dma_wait3A_100 : memref<40x128xf32, #tpu.memory_space<vmem>>)
      %mul3A_103 = arith.constant 40 : i32
      %mul3A_104 = arith.muli %add3A_86, %mul3A_103 : i32
      %dma_wait3A_105 = arith.constant 0 : i32
      %dma_wait3A_106 = arith.constant 0 : i32
      %dma_wait3A_107 = arith.constant 0 : i32
      %dma_wait3A_108 = tpu.memref_slice %arg9[%dma_wait3A_105, %dma_wait3A_106, %dma_wait3A_107] : memref<2x40x128xf32, #tpu.memory_space<vmem>> -> memref<1x40x128xf32, #tpu.memory_space<vmem>>
      %dma_wait3A_109 = tpu.memref_squeeze %dma_wait3A_108 : memref<1x40x128xf32, #tpu.memory_space<vmem>> -> memref<40x128xf32, #tpu.memory_space<vmem>>
      %dma_wait3A_110 = tpu.memref_slice %arg7[%mul3A_104] : memref<10240xi32, #tpu.memory_space<vmem>> -> memref<40xi32, #tpu.memory_space<vmem>>
      %dma_wait3A_111 = arith.constant 0 : i32
      %dma_wait3A_112 = arith.constant 0 : i32
      %dma_wait3A_113 = tpu.memref_slice %arg2[%dma_wait3A_111, %dma_wait3A_112] : memref<10000x128xf32, #tpu.memory_space<hbm>> -> memref<10000x128xf32, #tpu.memory_space<hbm>>
      tpu.wait_indirect_dma semaphore(%arg14 : memref<!tpu.dma_semaphore, #tpu.memory_space<semaphore_mem>>) src(%dma_wait3A_113 : memref<10000x128xf32, #tpu.memory_space<hbm>>) dst(%dma_wait3A_109 : memref<40x128xf32, #tpu.memory_space<vmem>>)
      %ge3A = arith.constant 1 : i32
      %ge3A_114 = arith.cmpi sge, %add3A_86, %ge3A : i32
      %convert_element_type3A = arith.extui %ge3A_114 : i1 to i32
      %cond3A = arith.constant 0 : i32
      %cond3A_115 = arith.cmpi ne, %convert_element_type3A, %cond3A : i32
      scf.if %cond3A_115 {
        %sub3A = arith.constant 1 : i32
        %sub3A_195 = arith.subi %add3A_86, %sub3A : i32
        %mul3A_196 = arith.constant 40 : i32
        %mul3A_197 = arith.muli %sub3A_195, %mul3A_196 : i32
        %dma_wait3A_198 = arith.constant 1 : i32
        %dma_wait3A_199 = arith.constant 0 : i32
        %dma_wait3A_200 = arith.constant 0 : i32
        %dma_wait3A_201 = tpu.memref_slice %arg9[%dma_wait3A_198, %dma_wait3A_199, %dma_wait3A_200] : memref<2x40x128xf32, #tpu.memory_space<vmem>> -> memref<1x40x128xf32, #tpu.memory_space<vmem>>
        %dma_wait3A_202 = tpu.memref_squeeze %dma_wait3A_201 : memref<1x40x128xf32, #tpu.memory_space<vmem>> -> memref<40x128xf32, #tpu.memory_space<vmem>>
        %dma_wait3A_203 = tpu.memref_slice %arg8[%mul3A_197] : memref<10240xi32, #tpu.memory_space<vmem>> -> memref<40xi32, #tpu.memory_space<vmem>>
        %dma_wait3A_204 = arith.constant 0 : i32
        %dma_wait3A_205 = arith.constant 0 : i32
        %dma_wait3A_206 = tpu.memref_slice %arg11[%dma_wait3A_204, %dma_wait3A_205] : memref<10000x128xf32, #tpu.memory_space<vmem_shared>> -> memref<10000x128xf32, #tpu.memory_space<vmem_shared>>
        tpu.wait_indirect_dma semaphore(%arg17 : memref<!tpu.dma_semaphore, #tpu.memory_space<semaphore_mem>>) src(%dma_wait3A_202 : memref<40x128xf32, #tpu.memory_space<vmem>>) dst(%dma_wait3A_206 : memref<10000x128xf32, #tpu.memory_space<vmem_shared>>)
      } else {
      }
      %add3A_116 = arith.constant 1 : i32
      %add3A_117 = arith.addi %add3A_86, %add3A_116 : i32
      %lt3A = arith.constant 250 : i32
      %lt3A_118 = arith.cmpi slt, %add3A_117, %lt3A : i32
      %convert_element_type3A_119 = arith.extui %lt3A_118 : i1 to i32
      %cond3A_120 = arith.constant 0 : i32
      %cond3A_121 = arith.cmpi ne, %convert_element_type3A_119, %cond3A_120 : i32
      scf.if %cond3A_121 {
        %add3A_195 = arith.constant 1 : i32
        %add3A_196 = arith.addi %add3A_86, %add3A_195 : i32
        %add3A_197 = arith.constant 1 : i32
        %add3A_198 = arith.addi %add3A_86, %add3A_197 : i32
        %mul3A_199 = arith.constant 40 : i32
        %mul3A_200 = arith.muli %add3A_196, %mul3A_199 : i32
        %add3A_201 = arith.addi %mul3A_2, %mul3A_200 : i32
        %dma_start3A_202 = arith.constant 1 : i32
        %dma_start3A_203 = arith.constant 0 : i32
        %dma_start3A_204 = arith.constant 0 : i32
        %dma_start3A_205 = tpu.memref_slice %arg10[%dma_start3A_202, %dma_start3A_203, %dma_start3A_204] : memref<2x40x128xf32, #tpu.memory_space<vmem>> -> memref<1x40x128xf32, #tpu.memory_space<vmem>>
        %dma_start3A_206 = tpu.memref_squeeze %dma_start3A_205 : memref<1x40x128xf32, #tpu.memory_space<vmem>> -> memref<40x128xf32, #tpu.memory_space<vmem>>
        %dma_start3A_207 = arith.constant 0 : i32
        %dma_start3A_208 = tpu.memref_slice %arg5[%add3A_201, %dma_start3A_207] : memref<320000x128xf32, #tpu.memory_space<hbm>> -> memref<40x128xf32, #tpu.memory_space<hbm>>
        %dma_start3A_209 = arith.constant 0 : i32
        %dma_start3A_210 = arith.constant 0 : i32
        %dma_start3A_211 = tpu.memref_slice %arg10[%dma_start3A_202, %dma_start3A_209, %dma_start3A_210] : memref<2x40x128xf32, #tpu.memory_space<vmem>> -> memref<1x40x128xf32, #tpu.memory_space<vmem>>
        %dma_start3A_212 = tpu.memref_squeeze %dma_start3A_211 : memref<1x40x128xf32, #tpu.memory_space<vmem>> -> memref<40x128xf32, #tpu.memory_space<vmem>>
        %dma_start3A_213 = arith.constant 0 : i32
        %dma_start3A_214 = tpu.memref_slice %arg5[%add3A_201, %dma_start3A_213] : memref<320000x128xf32, #tpu.memory_space<hbm>> -> memref<40x128xf32, #tpu.memory_space<hbm>>
        tpu.enqueue_dma source(%dma_start3A_214 : memref<40x128xf32, #tpu.memory_space<hbm>>) target(%dma_start3A_212 : memref<40x128xf32, #tpu.memory_space<vmem>>) target_semaphore(%arg13 : memref<!tpu.dma_semaphore, #tpu.memory_space<semaphore_mem>>)
        %mul3A_215 = arith.constant 40 : i32
        %mul3A_216 = arith.muli %add3A_198, %mul3A_215 : i32
        %dma_start3A_217 = arith.constant 1 : i32
        %dma_start3A_218 = arith.constant 0 : i32
        %dma_start3A_219 = arith.constant 0 : i32
        %dma_start3A_220 = tpu.memref_slice %arg9[%dma_start3A_217, %dma_start3A_218, %dma_start3A_219] : memref<2x40x128xf32, #tpu.memory_space<vmem>> -> memref<1x40x128xf32, #tpu.memory_space<vmem>>
        %dma_start3A_221 = tpu.memref_squeeze %dma_start3A_220 : memref<1x40x128xf32, #tpu.memory_space<vmem>> -> memref<40x128xf32, #tpu.memory_space<vmem>>
        %dma_start3A_222 = tpu.memref_slice %arg7[%mul3A_216] : memref<10240xi32, #tpu.memory_space<vmem>> -> memref<40xi32, #tpu.memory_space<vmem>>
        %dma_start3A_223 = arith.constant 0 : i32
        %dma_start3A_224 = arith.constant 0 : i32
        %dma_start3A_225 = tpu.memref_slice %arg2[%dma_start3A_223, %dma_start3A_224] : memref<10000x128xf32, #tpu.memory_space<hbm>> -> memref<10000x128xf32, #tpu.memory_space<hbm>>
        tpu.enqueue_indirect_dma source(%dma_start3A_225 : memref<10000x128xf32, #tpu.memory_space<hbm>>) target(%dma_start3A_221 : memref<40x128xf32, #tpu.memory_space<vmem>>) offsets(%dma_start3A_222 : memref<40xi32, #tpu.memory_space<vmem>>) semaphore(%arg15 : memref<!tpu.dma_semaphore, #tpu.memory_space<semaphore_mem>>)
      } else {
      }
      %scan3A_122 = arith.constant 0 : i32
      %scan3A_123 = arith.constant 40 : i32
      %scan3A_124 = arith.addi %scan3A_122, %scan3A_123 : i32
      %scan3A_125 = arith.constant 1 : i32
      scf.for %scan3A_195 = %scan3A_122 to %scan3A_124 step %scan3A_125  : i32 {
        %mul3A_196 = arith.constant 1 : i32
        %mul3A_197 = arith.muli %scan3A_195, %mul3A_196 : i32
        %add3A_198 = arith.constant 0 : i32
        %add3A_199 = arith.addi %add3A_198, %mul3A_197 : i32
        %get3A = arith.constant 0 : i32
        %get3A_200 = arith.index_cast %get3A : i32 to index
        %get3A_201 = arith.index_cast %add3A_199 : i32 to index
        %get3A_202 = arith.constant 0 : index
        %get3A_203 = tpu.vector_load %arg9[%get3A_200, %get3A_201, %get3A_202] {strides = array<i32>} : memref<2x40x128xf32, #tpu.memory_space<vmem>>, vector<1x1x16xf32>,
        %get3A_204 = vector.shape_cast %get3A_203 : vector<1x1x16xf32> to vector<16xf32>
        %get3A_205 = arith.constant 0 : i32
        %get3A_206 = arith.index_cast %get3A_205 : i32 to index
        %get3A_207 = arith.index_cast %add3A_199 : i32 to index
        %get3A_208 = arith.constant 0 : index
        %get3A_209 = tpu.vector_load %arg10[%get3A_206, %get3A_207, %get3A_208] {strides = array<i32>} : memref<2x40x128xf32, #tpu.memory_space<vmem>>, vector<1x1x16xf32>,
        %get3A_210 = vector.shape_cast %get3A_209 : vector<1x1x16xf32> to vector<16xf32>
        %add3A_211 = arith.addf %get3A_204, %get3A_210 : vector<16xf32>
        %max3A = arith.constant 0.000000e+00 : f32
        %max3A_212 = vector.broadcast %max3A : f32 to vector<16xf32>
        %max3A_213 = arith.maximumf %add3A_211, %max3A_212 : vector<16xf32>
        %swap3A = arith.constant 0 : i32
        %swap3A_214 = arith.index_cast %swap3A : i32 to index
        %swap3A_215 = arith.index_cast %add3A_199 : i32 to index
        %swap3A_216 = arith.constant 0 : index
        %swap3A_217 = tpu.vector_load %arg9[%swap3A_214, %swap3A_215, %swap3A_216] {strides = array<i32>} : memref<2x40x128xf32, #tpu.memory_space<vmem>>, vector<1x1x16xf32>,
        %swap3A_218 = vector.shape_cast %swap3A_217 : vector<1x1x16xf32> to vector<16xf32>
        %swap3A_219 = vector.shape_cast %max3A_213 : vector<16xf32> to vector<1x1x16xf32>
        tpu.vector_store %arg9[%swap3A_214, %swap3A_215, %swap3A_216], %swap3A_219 {strides = array<i32>} : memref<2x40x128xf32, #tpu.memory_space<vmem>>, vector<1x1x16xf32>,
        %get3A_220 = arith.constant 0 : i32
        %get3A_221 = arith.index_cast %get3A_220 : i32 to index
        %get3A_222 = arith.index_cast %add3A_199 : i32 to index
        %get3A_223 = arith.constant 16 : index
        %get3A_224 = tpu.vector_load %arg9[%get3A_221, %get3A_222, %get3A_223] {strides = array<i32>} : memref<2x40x128xf32, #tpu.memory_space<vmem>>, vector<1x1x16xf32>,
        %get3A_225 = vector.shape_cast %get3A_224 : vector<1x1x16xf32> to vector<16xf32>
        %get3A_226 = arith.constant 0 : i32
        %get3A_227 = arith.index_cast %get3A_226 : i32 to index
        %get3A_228 = arith.index_cast %add3A_199 : i32 to index
        %get3A_229 = arith.constant 16 : index
        %get3A_230 = tpu.vector_load %arg10[%get3A_227, %get3A_228, %get3A_229] {strides = array<i32>} : memref<2x40x128xf32, #tpu.memory_space<vmem>>, vector<1x1x16xf32>,
        %get3A_231 = vector.shape_cast %get3A_230 : vector<1x1x16xf32> to vector<16xf32>
        %add3A_232 = arith.addf %get3A_225, %get3A_231 : vector<16xf32>
        %max3A_233 = arith.constant 0.000000e+00 : f32
        %max3A_234 = vector.broadcast %max3A_233 : f32 to vector<16xf32>
        %max3A_235 = arith.maximumf %add3A_232, %max3A_234 : vector<16xf32>
        %swap3A_236 = arith.constant 0 : i32
        %swap3A_237 = arith.index_cast %swap3A_236 : i32 to index
        %swap3A_238 = arith.index_cast %add3A_199 : i32 to index
        %swap3A_239 = arith.constant 16 : index
        %swap3A_240 = tpu.vector_load %arg9[%swap3A_237, %swap3A_238, %swap3A_239] {strides = array<i32>} : memref<2x40x128xf32, #tpu.memory_space<vmem>>, vector<1x1x16xf32>,
        %swap3A_241 = vector.shape_cast %swap3A_240 : vector<1x1x16xf32> to vector<16xf32>
        %swap3A_242 = vector.shape_cast %max3A_235 : vector<16xf32> to vector<1x1x16xf32>
        tpu.vector_store %arg9[%swap3A_237, %swap3A_238, %swap3A_239], %swap3A_242 {strides = array<i32>} : memref<2x40x128xf32, #tpu.memory_space<vmem>>, vector<1x1x16xf32>,
        %get3A_243 = arith.constant 0 : i32
        %get3A_244 = arith.index_cast %get3A_243 : i32 to index
        %get3A_245 = arith.index_cast %add3A_199 : i32 to index
        %get3A_246 = arith.constant 32 : index
        %get3A_247 = tpu.vector_load %arg9[%get3A_244, %get3A_245, %get3A_246] {strides = array<i32>} : memref<2x40x128xf32, #tpu.memory_space<vmem>>, vector<1x1x16xf32>,
        %get3A_248 = vector.shape_cast %get3A_247 : vector<1x1x16xf32> to vector<16xf32>
        %get3A_249 = arith.constant 0 : i32
        %get3A_250 = arith.index_cast %get3A_249 : i32 to index
        %get3A_251 = arith.index_cast %add3A_199 : i32 to index
        %get3A_252 = arith.constant 32 : index
        %get3A_253 = tpu.vector_load %arg10[%get3A_250, %get3A_251, %get3A_252] {strides = array<i32>} : memref<2x40x128xf32, #tpu.memory_space<vmem>>, vector<1x1x16xf32>,
        %get3A_254 = vector.shape_cast %get3A_253 : vector<1x1x16xf32> to vector<16xf32>
        %add3A_255 = arith.addf %get3A_248, %get3A_254 : vector<16xf32>
        %max3A_256 = arith.constant 0.000000e+00 : f32
        %max3A_257 = vector.broadcast %max3A_256 : f32 to vector<16xf32>
        %max3A_258 = arith.maximumf %add3A_255, %max3A_257 : vector<16xf32>
        %swap3A_259 = arith.constant 0 : i32
        %swap3A_260 = arith.index_cast %swap3A_259 : i32 to index
        %swap3A_261 = arith.index_cast %add3A_199 : i32 to index
        %swap3A_262 = arith.constant 32 : index
        %swap3A_263 = tpu.vector_load %arg9[%swap3A_260, %swap3A_261, %swap3A_262] {strides = array<i32>} : memref<2x40x128xf32, #tpu.memory_space<vmem>>, vector<1x1x16xf32>,
        %swap3A_264 = vector.shape_cast %swap3A_263 : vector<1x1x16xf32> to vector<16xf32>
        %swap3A_265 = vector.shape_cast %max3A_258 : vector<16xf32> to vector<1x1x16xf32>
        tpu.vector_store %arg9[%swap3A_260, %swap3A_261, %swap3A_262], %swap3A_265 {strides = array<i32>} : memref<2x40x128xf32, #tpu.memory_space<vmem>>, vector<1x1x16xf32>,
        %get3A_266 = arith.constant 0 : i32
        %get3A_267 = arith.index_cast %get3A_266 : i32 to index
        %get3A_268 = arith.index_cast %add3A_199 : i32 to index
        %get3A_269 = arith.constant 48 : index
        %get3A_270 = tpu.vector_load %arg9[%get3A_267, %get3A_268, %get3A_269] {strides = array<i32>} : memref<2x40x128xf32, #tpu.memory_space<vmem>>, vector<1x1x16xf32>,
        %get3A_271 = vector.shape_cast %get3A_270 : vector<1x1x16xf32> to vector<16xf32>
        %get3A_272 = arith.constant 0 : i32
        %get3A_273 = arith.index_cast %get3A_272 : i32 to index
        %get3A_274 = arith.index_cast %add3A_199 : i32 to index
        %get3A_275 = arith.constant 48 : index
        %get3A_276 = tpu.vector_load %arg10[%get3A_273, %get3A_274, %get3A_275] {strides = array<i32>} : memref<2x40x128xf32, #tpu.memory_space<vmem>>, vector<1x1x16xf32>,
        %get3A_277 = vector.shape_cast %get3A_276 : vector<1x1x16xf32> to vector<16xf32>
        %add3A_278 = arith.addf %get3A_271, %get3A_277 : vector<16xf32>
        %max3A_279 = arith.constant 0.000000e+00 : f32
        %max3A_280 = vector.broadcast %max3A_279 : f32 to vector<16xf32>
        %max3A_281 = arith.maximumf %add3A_278, %max3A_280 : vector<16xf32>
        %swap3A_282 = arith.constant 0 : i32
        %swap3A_283 = arith.index_cast %swap3A_282 : i32 to index
        %swap3A_284 = arith.index_cast %add3A_199 : i32 to index
        %swap3A_285 = arith.constant 48 : index
        %swap3A_286 = tpu.vector_load %arg9[%swap3A_283, %swap3A_284, %swap3A_285] {strides = array<i32>} : memref<2x40x128xf32, #tpu.memory_space<vmem>>, vector<1x1x16xf32>,
        %swap3A_287 = vector.shape_cast %swap3A_286 : vector<1x1x16xf32> to vector<16xf32>
        %swap3A_288 = vector.shape_cast %max3A_281 : vector<16xf32> to vector<1x1x16xf32>
        tpu.vector_store %arg9[%swap3A_283, %swap3A_284, %swap3A_285], %swap3A_288 {strides = array<i32>} : memref<2x40x128xf32, #tpu.memory_space<vmem>>, vector<1x1x16xf32>,
        %get3A_289 = arith.constant 0 : i32
        %get3A_290 = arith.index_cast %get3A_289 : i32 to index
        %get3A_291 = arith.index_cast %add3A_199 : i32 to index
        %get3A_292 = arith.constant 64 : index
        %get3A_293 = tpu.vector_load %arg9[%get3A_290, %get3A_291, %get3A_292] {strides = array<i32>} : memref<2x40x128xf32, #tpu.memory_space<vmem>>, vector<1x1x16xf32>,
        %get3A_294 = vector.shape_cast %get3A_293 : vector<1x1x16xf32> to vector<16xf32>
        %get3A_295 = arith.constant 0 : i32
        %get3A_296 = arith.index_cast %get3A_295 : i32 to index
        %get3A_297 = arith.index_cast %add3A_199 : i32 to index
        %get3A_298 = arith.constant 64 : index
        %get3A_299 = tpu.vector_load %arg10[%get3A_296, %get3A_297, %get3A_298] {strides = array<i32>} : memref<2x40x128xf32, #tpu.memory_space<vmem>>, vector<1x1x16xf32>,
        %get3A_300 = vector.shape_cast %get3A_299 : vector<1x1x16xf32> to vector<16xf32>
        %add3A_301 = arith.addf %get3A_294, %get3A_300 : vector<16xf32>
        %max3A_302 = arith.constant 0.000000e+00 : f32
        %max3A_303 = vector.broadcast %max3A_302 : f32 to vector<16xf32>
        %max3A_304 = arith.maximumf %add3A_301, %max3A_303 : vector<16xf32>
        %swap3A_305 = arith.constant 0 : i32
        %swap3A_306 = arith.index_cast %swap3A_305 : i32 to index
        %swap3A_307 = arith.index_cast %add3A_199 : i32 to index
        %swap3A_308 = arith.constant 64 : index
        %swap3A_309 = tpu.vector_load %arg9[%swap3A_306, %swap3A_307, %swap3A_308] {strides = array<i32>} : memref<2x40x128xf32, #tpu.memory_space<vmem>>, vector<1x1x16xf32>,
        %swap3A_310 = vector.shape_cast %swap3A_309 : vector<1x1x16xf32> to vector<16xf32>
        %swap3A_311 = vector.shape_cast %max3A_304 : vector<16xf32> to vector<1x1x16xf32>
        tpu.vector_store %arg9[%swap3A_306, %swap3A_307, %swap3A_308], %swap3A_311 {strides = array<i32>} : memref<2x40x128xf32, #tpu.memory_space<vmem>>, vector<1x1x16xf32>,
        %get3A_312 = arith.constant 0 : i32
        %get3A_313 = arith.index_cast %get3A_312 : i32 to index
        %get3A_314 = arith.index_cast %add3A_199 : i32 to index
        %get3A_315 = arith.constant 80 : index
        %get3A_316 = tpu.vector_load %arg9[%get3A_313, %get3A_314, %get3A_315] {strides = array<i32>} : memref<2x40x128xf32, #tpu.memory_space<vmem>>, vector<1x1x16xf32>,
        %get3A_317 = vector.shape_cast %get3A_316 : vector<1x1x16xf32> to vector<16xf32>
        %get3A_318 = arith.constant 0 : i32
        %get3A_319 = arith.index_cast %get3A_318 : i32 to index
        %get3A_320 = arith.index_cast %add3A_199 : i32 to index
        %get3A_321 = arith.constant 80 : index
        %get3A_322 = tpu.vector_load %arg10[%get3A_319, %get3A_320, %get3A_321] {strides = array<i32>} : memref<2x40x128xf32, #tpu.memory_space<vmem>>, vector<1x1x16xf32>,
        %get3A_323 = vector.shape_cast %get3A_322 : vector<1x1x16xf32> to vector<16xf32>
        %add3A_324 = arith.addf %get3A_317, %get3A_323 : vector<16xf32>
        %max3A_325 = arith.constant 0.000000e+00 : f32
        %max3A_326 = vector.broadcast %max3A_325 : f32 to vector<16xf32>
        %max3A_327 = arith.maximumf %add3A_324, %max3A_326 : vector<16xf32>
        %swap3A_328 = arith.constant 0 : i32
        %swap3A_329 = arith.index_cast %swap3A_328 : i32 to index
        %swap3A_330 = arith.index_cast %add3A_199 : i32 to index
        %swap3A_331 = arith.constant 80 : index
        %swap3A_332 = tpu.vector_load %arg9[%swap3A_329, %swap3A_330, %swap3A_331] {strides = array<i32>} : memref<2x40x128xf32, #tpu.memory_space<vmem>>, vector<1x1x16xf32>,
        %swap3A_333 = vector.shape_cast %swap3A_332 : vector<1x1x16xf32> to vector<16xf32>
        %swap3A_334 = vector.shape_cast %max3A_327 : vector<16xf32> to vector<1x1x16xf32>
        tpu.vector_store %arg9[%swap3A_329, %swap3A_330, %swap3A_331], %swap3A_334 {strides = array<i32>} : memref<2x40x128xf32, #tpu.memory_space<vmem>>, vector<1x1x16xf32>,
        %get3A_335 = arith.constant 0 : i32
        %get3A_336 = arith.index_cast %get3A_335 : i32 to index
        %get3A_337 = arith.index_cast %add3A_199 : i32 to index
        %get3A_338 = arith.constant 96 : index
        %get3A_339 = tpu.vector_load %arg9[%get3A_336, %get3A_337, %get3A_338] {strides = array<i32>} : memref<2x40x128xf32, #tpu.memory_space<vmem>>, vector<1x1x16xf32>,
        %get3A_340 = vector.shape_cast %get3A_339 : vector<1x1x16xf32> to vector<16xf32>
        %get3A_341 = arith.constant 0 : i32
        %get3A_342 = arith.index_cast %get3A_341 : i32 to index
        %get3A_343 = arith.index_cast %add3A_199 : i32 to index
        %get3A_344 = arith.constant 96 : index
        %get3A_345 = tpu.vector_load %arg10[%get3A_342, %get3A_343, %get3A_344] {strides = array<i32>} : memref<2x40x128xf32, #tpu.memory_space<vmem>>, vector<1x1x16xf32>,
        %get3A_346 = vector.shape_cast %get3A_345 : vector<1x1x16xf32> to vector<16xf32>
        %add3A_347 = arith.addf %get3A_340, %get3A_346 : vector<16xf32>
        %max3A_348 = arith.constant 0.000000e+00 : f32
        %max3A_349 = vector.broadcast %max3A_348 : f32 to vector<16xf32>
        %max3A_350 = arith.maximumf %add3A_347, %max3A_349 : vector<16xf32>
        %swap3A_351 = arith.constant 0 : i32
        %swap3A_352 = arith.index_cast %swap3A_351 : i32 to index
        %swap3A_353 = arith.index_cast %add3A_199 : i32 to index
        %swap3A_354 = arith.constant 96 : index
        %swap3A_355 = tpu.vector_load %arg9[%swap3A_352, %swap3A_353, %swap3A_354] {strides = array<i32>} : memref<2x40x128xf32, #tpu.memory_space<vmem>>, vector<1x1x16xf32>,
        %swap3A_356 = vector.shape_cast %swap3A_355 : vector<1x1x16xf32> to vector<16xf32>
        %swap3A_357 = vector.shape_cast %max3A_350 : vector<16xf32> to vector<1x1x16xf32>
        tpu.vector_store %arg9[%swap3A_352, %swap3A_353, %swap3A_354], %swap3A_357 {strides = array<i32>} : memref<2x40x128xf32, #tpu.memory_space<vmem>>, vector<1x1x16xf32>,
        %get3A_358 = arith.constant 0 : i32
        %get3A_359 = arith.index_cast %get3A_358 : i32 to index
        %get3A_360 = arith.index_cast %add3A_199 : i32 to index
        %get3A_361 = arith.constant 112 : index
        %get3A_362 = tpu.vector_load %arg9[%get3A_359, %get3A_360, %get3A_361] {strides = array<i32>} : memref<2x40x128xf32, #tpu.memory_space<vmem>>, vector<1x1x16xf32>,
        %get3A_363 = vector.shape_cast %get3A_362 : vector<1x1x16xf32> to vector<16xf32>
        %get3A_364 = arith.constant 0 : i32
        %get3A_365 = arith.index_cast %get3A_364 : i32 to index
        %get3A_366 = arith.index_cast %add3A_199 : i32 to index
        %get3A_367 = arith.constant 112 : index
        %get3A_368 = tpu.vector_load %arg10[%get3A_365, %get3A_366, %get3A_367] {strides = array<i32>} : memref<2x40x128xf32, #tpu.memory_space<vmem>>, vector<1x1x16xf32>,
        %get3A_369 = vector.shape_cast %get3A_368 : vector<1x1x16xf32> to vector<16xf32>
        %add3A_370 = arith.addf %get3A_363, %get3A_369 : vector<16xf32>
        %max3A_371 = arith.constant 0.000000e+00 : f32
        %max3A_372 = vector.broadcast %max3A_371 : f32 to vector<16xf32>
        %max3A_373 = arith.maximumf %add3A_370, %max3A_372 : vector<16xf32>
        %swap3A_374 = arith.constant 0 : i32
        %swap3A_375 = arith.index_cast %swap3A_374 : i32 to index
        %swap3A_376 = arith.index_cast %add3A_199 : i32 to index
        %swap3A_377 = arith.constant 112 : index
        %swap3A_378 = tpu.vector_load %arg9[%swap3A_375, %swap3A_376, %swap3A_377] {strides = array<i32>} : memref<2x40x128xf32, #tpu.memory_space<vmem>>, vector<1x1x16xf32>,
        %swap3A_379 = vector.shape_cast %swap3A_378 : vector<1x1x16xf32> to vector<16xf32>
        %swap3A_380 = vector.shape_cast %max3A_373 : vector<16xf32> to vector<1x1x16xf32>
        tpu.vector_store %arg9[%swap3A_375, %swap3A_376, %swap3A_377], %swap3A_380 {strides = array<i32>} : memref<2x40x128xf32, #tpu.memory_space<vmem>>, vector<1x1x16xf32>,
      }
      %scan3A_126 = arith.constant 40 : i32
      %mul3A_127 = arith.constant 40 : i32
      %mul3A_128 = arith.muli %add3A_86, %mul3A_127 : i32
      %dma_start3A_129 = arith.constant 0 : i32
      %dma_start3A_130 = arith.constant 0 : i32
      %dma_start3A_131 = arith.constant 0 : i32
      %dma_start3A_132 = tpu.memref_slice %arg9[%dma_start3A_129, %dma_start3A_130, %dma_start3A_131] : memref<2x40x128xf32, #tpu.memory_space<vmem>> -> memref<1x40x128xf32, #tpu.memory_space<vmem>>
      %dma_start3A_133 = tpu.memref_squeeze %dma_start3A_132 : memref<1x40x128xf32, #tpu.memory_space<vmem>> -> memref<40x128xf32, #tpu.memory_space<vmem>>
      %dma_start3A_134 = tpu.memref_slice %arg8[%mul3A_128] : memref<10240xi32, #tpu.memory_space<vmem>> -> memref<40xi32, #tpu.memory_space<vmem>>
      %dma_start3A_135 = arith.constant 0 : i32
      %dma_start3A_136 = arith.constant 0 : i32
      %dma_start3A_137 = tpu.memref_slice %arg11[%dma_start3A_135, %dma_start3A_136] : memref<10000x128xf32, #tpu.memory_space<vmem_shared>> -> memref<10000x128xf32, #tpu.memory_space<vmem_shared>>
      tpu.enqueue_indirect_dma source(%dma_start3A_133 : memref<40x128xf32, #tpu.memory_space<vmem>>) target(%dma_start3A_137 : memref<10000x128xf32, #tpu.memory_space<vmem_shared>>) offsets(%dma_start3A_134 : memref<40xi32, #tpu.memory_space<vmem>>) semaphore(%arg16 : memref<!tpu.dma_semaphore, #tpu.memory_space<semaphore_mem>>) {add = true}
      %add3A_138 = arith.constant 1 : i32
      %add3A_139 = arith.addi %add3A_84, %add3A_138 : i32
      %mul3A_140 = arith.constant 40 : i32
      %mul3A_141 = arith.muli %add3A_139, %mul3A_140 : i32
      %add3A_142 = arith.addi %mul3A_2, %mul3A_141 : i32
      %dma_wait3A_143 = arith.constant 1 : i32
      %dma_wait3A_144 = arith.constant 0 : i32
      %dma_wait3A_145 = arith.constant 0 : i32
      %dma_wait3A_146 = tpu.memref_slice %arg10[%dma_wait3A_143, %dma_wait3A_144, %dma_wait3A_145] : memref<2x40x128xf32, #tpu.memory_space<vmem>> -> memref<1x40x128xf32, #tpu.memory_space<vmem>>
      %dma_wait3A_147 = tpu.memref_squeeze %dma_wait3A_146 : memref<1x40x128xf32, #tpu.memory_space<vmem>> -> memref<40x128xf32, #tpu.memory_space<vmem>>
      %dma_wait3A_148 = arith.constant 0 : i32
      %dma_wait3A_149 = tpu.memref_slice %arg5[%add3A_142, %dma_wait3A_148] : memref<320000x128xf32, #tpu.memory_space<hbm>> -> memref<40x128xf32, #tpu.memory_space<hbm>>
      %dma_wait3A_150 = arith.constant 0 : i32
      %dma_wait3A_151 = arith.constant 0 : i32
      %dma_wait3A_152 = tpu.memref_slice %arg10[%dma_wait3A_143, %dma_wait3A_150, %dma_wait3A_151] : memref<2x40x128xf32, #tpu.memory_space<vmem>> -> memref<1x40x128xf32, #tpu.memory_space<vmem>>
      %dma_wait3A_153 = tpu.memref_squeeze %dma_wait3A_152 : memref<1x40x128xf32, #tpu.memory_space<vmem>> -> memref<40x128xf32, #tpu.memory_space<vmem>>
      %dma_wait3A_154 = arith.constant 0 : i32
      %dma_wait3A_155 = tpu.memref_slice %arg5[%add3A_142, %dma_wait3A_154] : memref<320000x128xf32, #tpu.memory_space<hbm>> -> memref<40x128xf32, #tpu.memory_space<hbm>>
      tpu.wait_dma2 semaphore(%arg13 : memref<!tpu.dma_semaphore, #tpu.memory_space<semaphore_mem>>) src(%dma_wait3A_155 : memref<40x128xf32, #tpu.memory_space<hbm>>) dst(%dma_wait3A_153 : memref<40x128xf32, #tpu.memory_space<vmem>>)
      %mul3A_156 = arith.constant 40 : i32
      %mul3A_157 = arith.muli %add3A_139, %mul3A_156 : i32
      %dma_wait3A_158 = arith.constant 1 : i32
      %dma_wait3A_159 = arith.constant 0 : i32
      %dma_wait3A_160 = arith.constant 0 : i32
      %dma_wait3A_161 = tpu.memref_slice %arg9[%dma_wait3A_158, %dma_wait3A_159, %dma_wait3A_160] : memref<2x40x128xf32, #tpu.memory_space<vmem>> -> memref<1x40x128xf32, #tpu.memory_space<vmem>>
      %dma_wait3A_162 = tpu.memref_squeeze %dma_wait3A_161 : memref<1x40x128xf32, #tpu.memory_space<vmem>> -> memref<40x128xf32, #tpu.memory_space<vmem>>
      %dma_wait3A_163 = tpu.memref_slice %arg7[%mul3A_157] : memref<10240xi32, #tpu.memory_space<vmem>> -> memref<40xi32, #tpu.memory_space<vmem>>
      %dma_wait3A_164 = arith.constant 0 : i32
      %dma_wait3A_165 = arith.constant 0 : i32
      %dma_wait3A_166 = tpu.memref_slice %arg2[%dma_wait3A_164, %dma_wait3A_165] : memref<10000x128xf32, #tpu.memory_space<hbm>> -> memref<10000x128xf32, #tpu.memory_space<hbm>>
      tpu.wait_indirect_dma semaphore(%arg15 : memref<!tpu.dma_semaphore, #tpu.memory_space<semaphore_mem>>) src(%dma_wait3A_166 : memref<10000x128xf32, #tpu.memory_space<hbm>>) dst(%dma_wait3A_162 : memref<40x128xf32, #tpu.memory_space<vmem>>)
      %ge3A_167 = arith.constant 1 : i32
      %ge3A_168 = arith.cmpi sge, %add3A_139, %ge3A_167 : i32
      %convert_element_type3A_169 = arith.extui %ge3A_168 : i1 to i32
      %cond3A_170 = arith.constant 0 : i32
      %cond3A_171 = arith.cmpi ne, %convert_element_type3A_169, %cond3A_170 : i32
      scf.if %cond3A_171 {
        %sub3A = arith.constant 1 : i32
        %sub3A_195 = arith.subi %add3A_139, %sub3A : i32
        %mul3A_196 = arith.constant 40 : i32
        %mul3A_197 = arith.muli %sub3A_195, %mul3A_196 : i32
        %dma_wait3A_198 = arith.constant 0 : i32
        %dma_wait3A_199 = arith.constant 0 : i32
        %dma_wait3A_200 = arith.constant 0 : i32
        %dma_wait3A_201 = tpu.memref_slice %arg9[%dma_wait3A_198, %dma_wait3A_199, %dma_wait3A_200] : memref<2x40x128xf32, #tpu.memory_space<vmem>> -> memref<1x40x128xf32, #tpu.memory_space<vmem>>
        %dma_wait3A_202 = tpu.memref_squeeze %dma_wait3A_201 : memref<1x40x128xf32, #tpu.memory_space<vmem>> -> memref<40x128xf32, #tpu.memory_space<vmem>>
        %dma_wait3A_203 = tpu.memref_slice %arg8[%mul3A_197] : memref<10240xi32, #tpu.memory_space<vmem>> -> memref<40xi32, #tpu.memory_space<vmem>>
        %dma_wait3A_204 = arith.constant 0 : i32
        %dma_wait3A_205 = arith.constant 0 : i32
        %dma_wait3A_206 = tpu.memref_slice %arg11[%dma_wait3A_204, %dma_wait3A_205] : memref<10000x128xf32, #tpu.memory_space<vmem_shared>> -> memref<10000x128xf32, #tpu.memory_space<vmem_shared>>
        tpu.wait_indirect_dma semaphore(%arg16 : memref<!tpu.dma_semaphore, #tpu.memory_space<semaphore_mem>>) src(%dma_wait3A_202 : memref<40x128xf32, #tpu.memory_space<vmem>>) dst(%dma_wait3A_206 : memref<10000x128xf32, #tpu.memory_space<vmem_shared>>)
      } else {
      }
      %add3A_172 = arith.constant 1 : i32
      %add3A_173 = arith.addi %add3A_139, %add3A_172 : i32
      %lt3A_174 = arith.constant 250 : i32
      %lt3A_175 = arith.cmpi slt, %add3A_173, %lt3A_174 : i32
      %convert_element_type3A_176 = arith.extui %lt3A_175 : i1 to i32
      %cond3A_177 = arith.constant 0 : i32
      %cond3A_178 = arith.cmpi ne, %convert_element_type3A_176, %cond3A_177 : i32
      scf.if %cond3A_178 {
        %add3A_195 = arith.constant 1 : i32
        %add3A_196 = arith.addi %add3A_139, %add3A_195 : i32
        %add3A_197 = arith.constant 1 : i32
        %add3A_198 = arith.addi %add3A_139, %add3A_197 : i32
        %mul3A_199 = arith.constant 40 : i32
        %mul3A_200 = arith.muli %add3A_196, %mul3A_199 : i32
        %add3A_201 = arith.addi %mul3A_2, %mul3A_200 : i32
        %dma_start3A_202 = arith.constant 0 : i32
        %dma_start3A_203 = arith.constant 0 : i32
        %dma_start3A_204 = arith.constant 0 : i32
        %dma_start3A_205 = tpu.memref_slice %arg10[%dma_start3A_202, %dma_start3A_203, %dma_start3A_204] : memref<2x40x128xf32, #tpu.memory_space<vmem>> -> memref<1x40x128xf32, #tpu.memory_space<vmem>>
        %dma_start3A_206 = tpu.memref_squeeze %dma_start3A_205 : memref<1x40x128xf32, #tpu.memory_space<vmem>> -> memref<40x128xf32, #tpu.memory_space<vmem>>
        %dma_start3A_207 = arith.constant 0 : i32
        %dma_start3A_208 = tpu.memref_slice %arg5[%add3A_201, %dma_start3A_207] : memref<320000x128xf32, #tpu.memory_space<hbm>> -> memref<40x128xf32, #tpu.memory_space<hbm>>
        %dma_start3A_209 = arith.constant 0 : i32
        %dma_start3A_210 = arith.constant 0 : i32
        %dma_start3A_211 = tpu.memref_slice %arg10[%dma_start3A_202, %dma_start3A_209, %dma_start3A_210] : memref<2x40x128xf32, #tpu.memory_space<vmem>> -> memref<1x40x128xf32, #tpu.memory_space<vmem>>
        %dma_start3A_212 = tpu.memref_squeeze %dma_start3A_211 : memref<1x40x128xf32, #tpu.memory_space<vmem>> -> memref<40x128xf32, #tpu.memory_space<vmem>>
        %dma_start3A_213 = arith.constant 0 : i32
        %dma_start3A_214 = tpu.memref_slice %arg5[%add3A_201, %dma_start3A_213] : memref<320000x128xf32, #tpu.memory_space<hbm>> -> memref<40x128xf32, #tpu.memory_space<hbm>>
        tpu.enqueue_dma source(%dma_start3A_214 : memref<40x128xf32, #tpu.memory_space<hbm>>) target(%dma_start3A_212 : memref<40x128xf32, #tpu.memory_space<vmem>>) target_semaphore(%arg12 : memref<!tpu.dma_semaphore, #tpu.memory_space<semaphore_mem>>)
        %mul3A_215 = arith.constant 40 : i32
        %mul3A_216 = arith.muli %add3A_198, %mul3A_215 : i32
        %dma_start3A_217 = arith.constant 0 : i32
        %dma_start3A_218 = arith.constant 0 : i32
        %dma_start3A_219 = arith.constant 0 : i32
        %dma_start3A_220 = tpu.memref_slice %arg9[%dma_start3A_217, %dma_start3A_218, %dma_start3A_219] : memref<2x40x128xf32, #tpu.memory_space<vmem>> -> memref<1x40x128xf32, #tpu.memory_space<vmem>>
        %dma_start3A_221 = tpu.memref_squeeze %dma_start3A_220 : memref<1x40x128xf32, #tpu.memory_space<vmem>> -> memref<40x128xf32, #tpu.memory_space<vmem>>
        %dma_start3A_222 = tpu.memref_slice %arg7[%mul3A_216] : memref<10240xi32, #tpu.memory_space<vmem>> -> memref<40xi32, #tpu.memory_space<vmem>>
        %dma_start3A_223 = arith.constant 0 : i32
        %dma_start3A_224 = arith.constant 0 : i32
        %dma_start3A_225 = tpu.memref_slice %arg2[%dma_start3A_223, %dma_start3A_224] : memref<10000x128xf32, #tpu.memory_space<hbm>> -> memref<10000x128xf32, #tpu.memory_space<hbm>>
        tpu.enqueue_indirect_dma source(%dma_start3A_225 : memref<10000x128xf32, #tpu.memory_space<hbm>>) target(%dma_start3A_221 : memref<40x128xf32, #tpu.memory_space<vmem>>) offsets(%dma_start3A_222 : memref<40xi32, #tpu.memory_space<vmem>>) semaphore(%arg14 : memref<!tpu.dma_semaphore, #tpu.memory_space<semaphore_mem>>)
      } else {
      }
      %scan3A_179 = arith.constant 0 : i32
      %scan3A_180 = arith.constant 40 : i32
      %scan3A_181 = arith.addi %scan3A_179, %scan3A_180 : i32
      %scan3A_182 = arith.constant 1 : i32
      scf.for %scan3A_195 = %scan3A_179 to %scan3A_181 step %scan3A_182  : i32 {
        %mul3A_196 = arith.constant 1 : i32
        %mul3A_197 = arith.muli %scan3A_195, %mul3A_196 : i32
        %add3A_198 = arith.constant 0 : i32
        %add3A_199 = arith.addi %add3A_198, %mul3A_197 : i32
        %get3A = arith.constant 1 : i32
        %get3A_200 = arith.index_cast %get3A : i32 to index
        %get3A_201 = arith.index_cast %add3A_199 : i32 to index
        %get3A_202 = arith.constant 0 : index
        %get3A_203 = tpu.vector_load %arg9[%get3A_200, %get3A_201, %get3A_202] {strides = array<i32>} : memref<2x40x128xf32, #tpu.memory_space<vmem>>, vector<1x1x16xf32>,
        %get3A_204 = vector.shape_cast %get3A_203 : vector<1x1x16xf32> to vector<16xf32>
        %get3A_205 = arith.constant 1 : i32
        %get3A_206 = arith.index_cast %get3A_205 : i32 to index
        %get3A_207 = arith.index_cast %add3A_199 : i32 to index
        %get3A_208 = arith.constant 0 : index
        %get3A_209 = tpu.vector_load %arg10[%get3A_206, %get3A_207, %get3A_208] {strides = array<i32>} : memref<2x40x128xf32, #tpu.memory_space<vmem>>, vector<1x1x16xf32>,
        %get3A_210 = vector.shape_cast %get3A_209 : vector<1x1x16xf32> to vector<16xf32>
        %add3A_211 = arith.addf %get3A_204, %get3A_210 : vector<16xf32>
        %max3A = arith.constant 0.000000e+00 : f32
        %max3A_212 = vector.broadcast %max3A : f32 to vector<16xf32>
        %max3A_213 = arith.maximumf %add3A_211, %max3A_212 : vector<16xf32>
        %swap3A = arith.constant 1 : i32
        %swap3A_214 = arith.index_cast %swap3A : i32 to index
        %swap3A_215 = arith.index_cast %add3A_199 : i32 to index
        %swap3A_216 = arith.constant 0 : index
        %swap3A_217 = tpu.vector_load %arg9[%swap3A_214, %swap3A_215, %swap3A_216] {strides = array<i32>} : memref<2x40x128xf32, #tpu.memory_space<vmem>>, vector<1x1x16xf32>,
        %swap3A_218 = vector.shape_cast %swap3A_217 : vector<1x1x16xf32> to vector<16xf32>
        %swap3A_219 = vector.shape_cast %max3A_213 : vector<16xf32> to vector<1x1x16xf32>
        tpu.vector_store %arg9[%swap3A_214, %swap3A_215, %swap3A_216], %swap3A_219 {strides = array<i32>} : memref<2x40x128xf32, #tpu.memory_space<vmem>>, vector<1x1x16xf32>,
        %get3A_220 = arith.constant 1 : i32
        %get3A_221 = arith.index_cast %get3A_220 : i32 to index
        %get3A_222 = arith.index_cast %add3A_199 : i32 to index
        %get3A_223 = arith.constant 16 : index
        %get3A_224 = tpu.vector_load %arg9[%get3A_221, %get3A_222, %get3A_223] {strides = array<i32>} : memref<2x40x128xf32, #tpu.memory_space<vmem>>, vector<1x1x16xf32>,
        %get3A_225 = vector.shape_cast %get3A_224 : vector<1x1x16xf32> to vector<16xf32>
        %get3A_226 = arith.constant 1 : i32
        %get3A_227 = arith.index_cast %get3A_226 : i32 to index
        %get3A_228 = arith.index_cast %add3A_199 : i32 to index
        %get3A_229 = arith.constant 16 : index
        %get3A_230 = tpu.vector_load %arg10[%get3A_227, %get3A_228, %get3A_229] {strides = array<i32>} : memref<2x40x128xf32, #tpu.memory_space<vmem>>, vector<1x1x16xf32>,
        %get3A_231 = vector.shape_cast %get3A_230 : vector<1x1x16xf32> to vector<16xf32>
        %add3A_232 = arith.addf %get3A_225, %get3A_231 : vector<16xf32>
        %max3A_233 = arith.constant 0.000000e+00 : f32
        %max3A_234 = vector.broadcast %max3A_233 : f32 to vector<16xf32>
        %max3A_235 = arith.maximumf %add3A_232, %max3A_234 : vector<16xf32>
        %swap3A_236 = arith.constant 1 : i32
        %swap3A_237 = arith.index_cast %swap3A_236 : i32 to index
        %swap3A_238 = arith.index_cast %add3A_199 : i32 to index
        %swap3A_239 = arith.constant 16 : index
        %swap3A_240 = tpu.vector_load %arg9[%swap3A_237, %swap3A_238, %swap3A_239] {strides = array<i32>} : memref<2x40x128xf32, #tpu.memory_space<vmem>>, vector<1x1x16xf32>,
        %swap3A_241 = vector.shape_cast %swap3A_240 : vector<1x1x16xf32> to vector<16xf32>
        %swap3A_242 = vector.shape_cast %max3A_235 : vector<16xf32> to vector<1x1x16xf32>
        tpu.vector_store %arg9[%swap3A_237, %swap3A_238, %swap3A_239], %swap3A_242 {strides = array<i32>} : memref<2x40x128xf32, #tpu.memory_space<vmem>>, vector<1x1x16xf32>,
        %get3A_243 = arith.constant 1 : i32
        %get3A_244 = arith.index_cast %get3A_243 : i32 to index
        %get3A_245 = arith.index_cast %add3A_199 : i32 to index
        %get3A_246 = arith.constant 32 : index
        %get3A_247 = tpu.vector_load %arg9[%get3A_244, %get3A_245, %get3A_246] {strides = array<i32>} : memref<2x40x128xf32, #tpu.memory_space<vmem>>, vector<1x1x16xf32>,
        %get3A_248 = vector.shape_cast %get3A_247 : vector<1x1x16xf32> to vector<16xf32>
        %get3A_249 = arith.constant 1 : i32
        %get3A_250 = arith.index_cast %get3A_249 : i32 to index
        %get3A_251 = arith.index_cast %add3A_199 : i32 to index
        %get3A_252 = arith.constant 32 : index
        %get3A_253 = tpu.vector_load %arg10[%get3A_250, %get3A_251, %get3A_252] {strides = array<i32>} : memref<2x40x128xf32, #tpu.memory_space<vmem>>, vector<1x1x16xf32>,
        %get3A_254 = vector.shape_cast %get3A_253 : vector<1x1x16xf32> to vector<16xf32>
        %add3A_255 = arith.addf %get3A_248, %get3A_254 : vector<16xf32>
        %max3A_256 = arith.constant 0.000000e+00 : f32
        %max3A_257 = vector.broadcast %max3A_256 : f32 to vector<16xf32>
        %max3A_258 = arith.maximumf %add3A_255, %max3A_257 : vector<16xf32>
        %swap3A_259 = arith.constant 1 : i32
        %swap3A_260 = arith.index_cast %swap3A_259 : i32 to index
        %swap3A_261 = arith.index_cast %add3A_199 : i32 to index
        %swap3A_262 = arith.constant 32 : index
        %swap3A_263 = tpu.vector_load %arg9[%swap3A_260, %swap3A_261, %swap3A_262] {strides = array<i32>} : memref<2x40x128xf32, #tpu.memory_space<vmem>>, vector<1x1x16xf32>,
        %swap3A_264 = vector.shape_cast %swap3A_263 : vector<1x1x16xf32> to vector<16xf32>
        %swap3A_265 = vector.shape_cast %max3A_258 : vector<16xf32> to vector<1x1x16xf32>
        tpu.vector_store %arg9[%swap3A_260, %swap3A_261, %swap3A_262], %swap3A_265 {strides = array<i32>} : memref<2x40x128xf32, #tpu.memory_space<vmem>>, vector<1x1x16xf32>,
        %get3A_266 = arith.constant 1 : i32
        %get3A_267 = arith.index_cast %get3A_266 : i32 to index
        %get3A_268 = arith.index_cast %add3A_199 : i32 to index
        %get3A_269 = arith.constant 48 : index
        %get3A_270 = tpu.vector_load %arg9[%get3A_267, %get3A_268, %get3A_269] {strides = array<i32>} : memref<2x40x128xf32, #tpu.memory_space<vmem>>, vector<1x1x16xf32>,
        %get3A_271 = vector.shape_cast %get3A_270 : vector<1x1x16xf32> to vector<16xf32>
        %get3A_272 = arith.constant 1 : i32
        %get3A_273 = arith.index_cast %get3A_272 : i32 to index
        %get3A_274 = arith.index_cast %add3A_199 : i32 to index
        %get3A_275 = arith.constant 48 : index
        %get3A_276 = tpu.vector_load %arg10[%get3A_273, %get3A_274, %get3A_275] {strides = array<i32>} : memref<2x40x128xf32, #tpu.memory_space<vmem>>, vector<1x1x16xf32>,
        %get3A_277 = vector.shape_cast %get3A_276 : vector<1x1x16xf32> to vector<16xf32>
        %add3A_278 = arith.addf %get3A_271, %get3A_277 : vector<16xf32>
        %max3A_279 = arith.constant 0.000000e+00 : f32
        %max3A_280 = vector.broadcast %max3A_279 : f32 to vector<16xf32>
        %max3A_281 = arith.maximumf %add3A_278, %max3A_280 : vector<16xf32>
        %swap3A_282 = arith.constant 1 : i32
        %swap3A_283 = arith.index_cast %swap3A_282 : i32 to index
        %swap3A_284 = arith.index_cast %add3A_199 : i32 to index
        %swap3A_285 = arith.constant 48 : index
        %swap3A_286 = tpu.vector_load %arg9[%swap3A_283, %swap3A_284, %swap3A_285] {strides = array<i32>} : memref<2x40x128xf32, #tpu.memory_space<vmem>>, vector<1x1x16xf32>,
        %swap3A_287 = vector.shape_cast %swap3A_286 : vector<1x1x16xf32> to vector<16xf32>
        %swap3A_288 = vector.shape_cast %max3A_281 : vector<16xf32> to vector<1x1x16xf32>
        tpu.vector_store %arg9[%swap3A_283, %swap3A_284, %swap3A_285], %swap3A_288 {strides = array<i32>} : memref<2x40x128xf32, #tpu.memory_space<vmem>>, vector<1x1x16xf32>,
        %get3A_289 = arith.constant 1 : i32
        %get3A_290 = arith.index_cast %get3A_289 : i32 to index
        %get3A_291 = arith.index_cast %add3A_199 : i32 to index
        %get3A_292 = arith.constant 64 : index
        %get3A_293 = tpu.vector_load %arg9[%get3A_290, %get3A_291, %get3A_292] {strides = array<i32>} : memref<2x40x128xf32, #tpu.memory_space<vmem>>, vector<1x1x16xf32>,
        %get3A_294 = vector.shape_cast %get3A_293 : vector<1x1x16xf32> to vector<16xf32>
        %get3A_295 = arith.constant 1 : i32
        %get3A_296 = arith.index_cast %get3A_295 : i32 to index
        %get3A_297 = arith.index_cast %add3A_199 : i32 to index
        %get3A_298 = arith.constant 64 : index
        %get3A_299 = tpu.vector_load %arg10[%get3A_296, %get3A_297, %get3A_298] {strides = array<i32>} : memref<2x40x128xf32, #tpu.memory_space<vmem>>, vector<1x1x16xf32>,
        %get3A_300 = vector.shape_cast %get3A_299 : vector<1x1x16xf32> to vector<16xf32>
        %add3A_301 = arith.addf %get3A_294, %get3A_300 : vector<16xf32>
        %max3A_302 = arith.constant 0.000000e+00 : f32
        %max3A_303 = vector.broadcast %max3A_302 : f32 to vector<16xf32>
        %max3A_304 = arith.maximumf %add3A_301, %max3A_303 : vector<16xf32>
        %swap3A_305 = arith.constant 1 : i32
        %swap3A_306 = arith.index_cast %swap3A_305 : i32 to index
        %swap3A_307 = arith.index_cast %add3A_199 : i32 to index
        %swap3A_308 = arith.constant 64 : index
        %swap3A_309 = tpu.vector_load %arg9[%swap3A_306, %swap3A_307, %swap3A_308] {strides = array<i32>} : memref<2x40x128xf32, #tpu.memory_space<vmem>>, vector<1x1x16xf32>,
        %swap3A_310 = vector.shape_cast %swap3A_309 : vector<1x1x16xf32> to vector<16xf32>
        %swap3A_311 = vector.shape_cast %max3A_304 : vector<16xf32> to vector<1x1x16xf32>
        tpu.vector_store %arg9[%swap3A_306, %swap3A_307, %swap3A_308], %swap3A_311 {strides = array<i32>} : memref<2x40x128xf32, #tpu.memory_space<vmem>>, vector<1x1x16xf32>,
        %get3A_312 = arith.constant 1 : i32
        %get3A_313 = arith.index_cast %get3A_312 : i32 to index
        %get3A_314 = arith.index_cast %add3A_199 : i32 to index
        %get3A_315 = arith.constant 80 : index
        %get3A_316 = tpu.vector_load %arg9[%get3A_313, %get3A_314, %get3A_315] {strides = array<i32>} : memref<2x40x128xf32, #tpu.memory_space<vmem>>, vector<1x1x16xf32>,
        %get3A_317 = vector.shape_cast %get3A_316 : vector<1x1x16xf32> to vector<16xf32>
        %get3A_318 = arith.constant 1 : i32
        %get3A_319 = arith.index_cast %get3A_318 : i32 to index
        %get3A_320 = arith.index_cast %add3A_199 : i32 to index
        %get3A_321 = arith.constant 80 : index
        %get3A_322 = tpu.vector_load %arg10[%get3A_319, %get3A_320, %get3A_321] {strides = array<i32>} : memref<2x40x128xf32, #tpu.memory_space<vmem>>, vector<1x1x16xf32>,
        %get3A_323 = vector.shape_cast %get3A_322 : vector<1x1x16xf32> to vector<16xf32>
        %add3A_324 = arith.addf %get3A_317, %get3A_323 : vector<16xf32>
        %max3A_325 = arith.constant 0.000000e+00 : f32
        %max3A_326 = vector.broadcast %max3A_325 : f32 to vector<16xf32>
        %max3A_327 = arith.maximumf %add3A_324, %max3A_326 : vector<16xf32>
        %swap3A_328 = arith.constant 1 : i32
        %swap3A_329 = arith.index_cast %swap3A_328 : i32 to index
        %swap3A_330 = arith.index_cast %add3A_199 : i32 to index
        %swap3A_331 = arith.constant 80 : index
        %swap3A_332 = tpu.vector_load %arg9[%swap3A_329, %swap3A_330, %swap3A_331] {strides = array<i32>} : memref<2x40x128xf32, #tpu.memory_space<vmem>>, vector<1x1x16xf32>,
        %swap3A_333 = vector.shape_cast %swap3A_332 : vector<1x1x16xf32> to vector<16xf32>
        %swap3A_334 = vector.shape_cast %max3A_327 : vector<16xf32> to vector<1x1x16xf32>
        tpu.vector_store %arg9[%swap3A_329, %swap3A_330, %swap3A_331], %swap3A_334 {strides = array<i32>} : memref<2x40x128xf32, #tpu.memory_space<vmem>>, vector<1x1x16xf32>,
        %get3A_335 = arith.constant 1 : i32
        %get3A_336 = arith.index_cast %get3A_335 : i32 to index
        %get3A_337 = arith.index_cast %add3A_199 : i32 to index
        %get3A_338 = arith.constant 96 : index
        %get3A_339 = tpu.vector_load %arg9[%get3A_336, %get3A_337, %get3A_338] {strides = array<i32>} : memref<2x40x128xf32, #tpu.memory_space<vmem>>, vector<1x1x16xf32>,
        %get3A_340 = vector.shape_cast %get3A_339 : vector<1x1x16xf32> to vector<16xf32>
        %get3A_341 = arith.constant 1 : i32
        %get3A_342 = arith.index_cast %get3A_341 : i32 to index
        %get3A_343 = arith.index_cast %add3A_199 : i32 to index
        %get3A_344 = arith.constant 96 : index
        %get3A_345 = tpu.vector_load %arg10[%get3A_342, %get3A_343, %get3A_344] {strides = array<i32>} : memref<2x40x128xf32, #tpu.memory_space<vmem>>, vector<1x1x16xf32>,
        %get3A_346 = vector.shape_cast %get3A_345 : vector<1x1x16xf32> to vector<16xf32>
        %add3A_347 = arith.addf %get3A_340, %get3A_346 : vector<16xf32>
        %max3A_348 = arith.constant 0.000000e+00 : f32
        %max3A_349 = vector.broadcast %max3A_348 : f32 to vector<16xf32>
        %max3A_350 = arith.maximumf %add3A_347, %max3A_349 : vector<16xf32>
        %swap3A_351 = arith.constant 1 : i32
        %swap3A_352 = arith.index_cast %swap3A_351 : i32 to index
        %swap3A_353 = arith.index_cast %add3A_199 : i32 to index
        %swap3A_354 = arith.constant 96 : index
        %swap3A_355 = tpu.vector_load %arg9[%swap3A_352, %swap3A_353, %swap3A_354] {strides = array<i32>} : memref<2x40x128xf32, #tpu.memory_space<vmem>>, vector<1x1x16xf32>,
        %swap3A_356 = vector.shape_cast %swap3A_355 : vector<1x1x16xf32> to vector<16xf32>
        %swap3A_357 = vector.shape_cast %max3A_350 : vector<16xf32> to vector<1x1x16xf32>
        tpu.vector_store %arg9[%swap3A_352, %swap3A_353, %swap3A_354], %swap3A_357 {strides = array<i32>} : memref<2x40x128xf32, #tpu.memory_space<vmem>>, vector<1x1x16xf32>,
        %get3A_358 = arith.constant 1 : i32
        %get3A_359 = arith.index_cast %get3A_358 : i32 to index
        %get3A_360 = arith.index_cast %add3A_199 : i32 to index
        %get3A_361 = arith.constant 112 : index
        %get3A_362 = tpu.vector_load %arg9[%get3A_359, %get3A_360, %get3A_361] {strides = array<i32>} : memref<2x40x128xf32, #tpu.memory_space<vmem>>, vector<1x1x16xf32>,
        %get3A_363 = vector.shape_cast %get3A_362 : vector<1x1x16xf32> to vector<16xf32>
        %get3A_364 = arith.constant 1 : i32
        %get3A_365 = arith.index_cast %get3A_364 : i32 to index
        %get3A_366 = arith.index_cast %add3A_199 : i32 to index
        %get3A_367 = arith.constant 112 : index
        %get3A_368 = tpu.vector_load %arg10[%get3A_365, %get3A_366, %get3A_367] {strides = array<i32>} : memref<2x40x128xf32, #tpu.memory_space<vmem>>, vector<1x1x16xf32>,
        %get3A_369 = vector.shape_cast %get3A_368 : vector<1x1x16xf32> to vector<16xf32>
        %add3A_370 = arith.addf %get3A_363, %get3A_369 : vector<16xf32>
        %max3A_371 = arith.constant 0.000000e+00 : f32
        %max3A_372 = vector.broadcast %max3A_371 : f32 to vector<16xf32>
        %max3A_373 = arith.maximumf %add3A_370, %max3A_372 : vector<16xf32>
        %swap3A_374 = arith.constant 1 : i32
        %swap3A_375 = arith.index_cast %swap3A_374 : i32 to index
        %swap3A_376 = arith.index_cast %add3A_199 : i32 to index
        %swap3A_377 = arith.constant 112 : index
        %swap3A_378 = tpu.vector_load %arg9[%swap3A_375, %swap3A_376, %swap3A_377] {strides = array<i32>} : memref<2x40x128xf32, #tpu.memory_space<vmem>>, vector<1x1x16xf32>,
        %swap3A_379 = vector.shape_cast %swap3A_378 : vector<1x1x16xf32> to vector<16xf32>
        %swap3A_380 = vector.shape_cast %max3A_373 : vector<16xf32> to vector<1x1x16xf32>
        tpu.vector_store %arg9[%swap3A_375, %swap3A_376, %swap3A_377], %swap3A_380 {strides = array<i32>} : memref<2x40x128xf32, #tpu.memory_space<vmem>>, vector<1x1x16xf32>,
      }
      %scan3A_183 = arith.constant 40 : i32
      %mul3A_184 = arith.constant 40 : i32
      %mul3A_185 = arith.muli %add3A_139, %mul3A_184 : i32
      %dma_start3A_186 = arith.constant 1 : i32
      %dma_start3A_187 = arith.constant 0 : i32
      %dma_start3A_188 = arith.constant 0 : i32
      %dma_start3A_189 = tpu.memref_slice %arg9[%dma_start3A_186, %dma_start3A_187, %dma_start3A_188] : memref<2x40x128xf32, #tpu.memory_space<vmem>> -> memref<1x40x128xf32, #tpu.memory_space<vmem>>
      %dma_start3A_190 = tpu.memref_squeeze %dma_start3A_189 : memref<1x40x128xf32, #tpu.memory_space<vmem>> -> memref<40x128xf32, #tpu.memory_space<vmem>>
      %dma_start3A_191 = tpu.memref_slice %arg8[%mul3A_185] : memref<10240xi32, #tpu.memory_space<vmem>> -> memref<40xi32, #tpu.memory_space<vmem>>
      %dma_start3A_192 = arith.constant 0 : i32
      %dma_start3A_193 = arith.constant 0 : i32
      %dma_start3A_194 = tpu.memref_slice %arg11[%dma_start3A_192, %dma_start3A_193] : memref<10000x128xf32, #tpu.memory_space<vmem_shared>> -> memref<10000x128xf32, #tpu.memory_space<vmem_shared>>
      tpu.enqueue_indirect_dma source(%dma_start3A_190 : memref<40x128xf32, #tpu.memory_space<vmem>>) target(%dma_start3A_194 : memref<10000x128xf32, #tpu.memory_space<vmem_shared>>) offsets(%dma_start3A_191 : memref<40xi32, #tpu.memory_space<vmem>>) semaphore(%arg17 : memref<!tpu.dma_semaphore, #tpu.memory_space<semaphore_mem>>) {add = true}
    }
    %scan3A_63 = arith.constant 125 : i32
    %dma_wait3A_64 = arith.constant 1 : i32
    %dma_wait3A_65 = arith.constant 0 : i32
    %dma_wait3A_66 = arith.constant 0 : i32
    %dma_wait3A_67 = tpu.memref_slice %arg9[%dma_wait3A_64, %dma_wait3A_65, %dma_wait3A_66] : memref<2x40x128xf32, #tpu.memory_space<vmem>> -> memref<1x40x128xf32, #tpu.memory_space<vmem>>
    %dma_wait3A_68 = tpu.memref_squeeze %dma_wait3A_67 : memref<1x40x128xf32, #tpu.memory_space<vmem>> -> memref<40x128xf32, #tpu.memory_space<vmem>>
    %dma_wait3A_69 = arith.constant 9960 : i32
    %dma_wait3A_70 = tpu.memref_slice %arg8[%dma_wait3A_69] : memref<10240xi32, #tpu.memory_space<vmem>> -> memref<40xi32, #tpu.memory_space<vmem>>
    %dma_wait3A_71 = arith.constant 0 : i32
    %dma_wait3A_72 = arith.constant 0 : i32
    %dma_wait3A_73 = tpu.memref_slice %arg11[%dma_wait3A_71, %dma_wait3A_72] : memref<10000x128xf32, #tpu.memory_space<vmem_shared>> -> memref<10000x128xf32, #tpu.memory_space<vmem_shared>>
    tpu.wait_indirect_dma semaphore(%arg17 : memref<!tpu.dma_semaphore, #tpu.memory_space<semaphore_mem>>) src(%dma_wait3A_68 : memref<40x128xf32, #tpu.memory_space<vmem>>) dst(%dma_wait3A_73 : memref<10000x128xf32, #tpu.memory_space<vmem_shared>>)
    %barrier3A_74 = arith.constant 0 : index
    tpu.barrier barrier_id(%barrier3A_74)
    %scan3A_75 = arith.constant 0 : i32
    %scan3A_76 = arith.constant 16 : i32
    %scan3A_77 = arith.addi %scan3A_75, %scan3A_76 : i32
    %scan3A_78 = arith.constant 1 : i32
    scf.for %scan3A_80 = %scan3A_75 to %scan3A_77 step %scan3A_78  : i32 {
      %mul3A_81 = arith.constant 1 : i32
      %mul3A_82 = arith.muli %scan3A_80, %mul3A_81 : i32
      %add3A_83 = arith.constant 0 : i32
      %add3A_84 = arith.addi %add3A_83, %mul3A_82 : i32
      %mul3A_85 = arith.constant 16 : i32
      %mul3A_86 = arith.muli %add3A_84, %mul3A_85 : i32
      %add3A_87 = arith.addi %mul3A_86, %arg1 : i32
      %lt3A = arith.constant 250 : i32
      %lt3A_88 = arith.cmpi slt, %add3A_87, %lt3A : i32
      %convert_element_type3A = arith.extui %lt3A_88 : i1 to i32
      %cond3A = arith.constant 0 : i32
      %cond3A_89 = arith.cmpi ne, %convert_element_type3A, %cond3A : i32
      scf.if %cond3A_89 {
        %mul3A_90 = arith.constant 40 : i32
        %mul3A_91 = arith.muli %add3A_87, %mul3A_90 : i32
        %mul3A_92 = arith.constant 40 : i32
        %mul3A_93 = arith.muli %add3A_87, %mul3A_92 : i32
        "tpu.region"() ({
          %run_scoped3A = tpu.sem_alloc : memref<!tpu.dma_semaphore, #tpu.memory_space<semaphore_mem>>
          %dma_start3A_94 = arith.constant 0 : i32
          %dma_start3A_95 = tpu.memref_slice %arg6[%arg0, %mul3A_93, %dma_start3A_94] : memref<2x10000x128xf32, #tpu.memory_space<hbm>> -> memref<1x40x128xf32, #tpu.memory_space<hbm>>
          %dma_start3A_96 = tpu.memref_squeeze %dma_start3A_95 : memref<1x40x128xf32, #tpu.memory_space<hbm>> -> memref<40x128xf32, #tpu.memory_space<hbm>>
          %dma_start3A_97 = arith.constant 0 : i32
          %dma_start3A_98 = tpu.memref_slice %arg11[%mul3A_91, %dma_start3A_97] : memref<10000x128xf32, #tpu.memory_space<vmem_shared>> -> memref<40x128xf32, #tpu.memory_space<vmem_shared>>
          tpu.enqueue_dma source(%dma_start3A_98 : memref<40x128xf32, #tpu.memory_space<vmem_shared>>) target(%dma_start3A_96 : memref<40x128xf32, #tpu.memory_space<hbm>>) target_semaphore(%run_scoped3A : memref<!tpu.dma_semaphore, #tpu.memory_space<semaphore_mem>>)
          %dma_wait3A_99 = arith.constant 0 : i32
          %dma_wait3A_100 = tpu.memref_slice %arg6[%arg0, %mul3A_93, %dma_wait3A_99] : memref<2x10000x128xf32, #tpu.memory_space<hbm>> -> memref<1x40x128xf32, #tpu.memory_space<hbm>>
          %dma_wait3A_101 = tpu.memref_squeeze %dma_wait3A_100 : memref<1x40x128xf32, #tpu.memory_space<hbm>> -> memref<40x128xf32, #tpu.memory_space<hbm>>
          %dma_wait3A_102 = arith.constant 0 : i32
          %dma_wait3A_103 = tpu.memref_slice %arg11[%mul3A_91, %dma_wait3A_102] : memref<10000x128xf32, #tpu.memory_space<vmem_shared>> -> memref<40x128xf32, #tpu.memory_space<vmem_shared>>
          tpu.wait_dma2 semaphore(%run_scoped3A : memref<!tpu.dma_semaphore, #tpu.memory_space<semaphore_mem>>) src(%dma_wait3A_103 : memref<40x128xf32, #tpu.memory_space<vmem_shared>>) dst(%dma_wait3A_101 : memref<40x128xf32, #tpu.memory_space<hbm>>)
          tpu.yield
        }) : () -> ()
      } else {
      }
    }
    %scan3A_79 = arith.constant 16 : i32
    return
  }
}

module attributes {stable_mosaic.version = 14 : i64} {
  func.func @body(%arg0: i32, %arg1: memref<1000x128xf32, #tpu.memory_space<vmem>>, %arg2: memref<2x1000x128xf32, #tpu.memory_space<vmem>>, %arg3: memref<128x256xbf16, #tpu.memory_space<vmem>>, %arg4: memref<1x256xf32, #tpu.memory_space<vmem>>, %arg5: memref<256x128xbf16, #tpu.memory_space<vmem>>, %arg6: memref<1x128xf32, #tpu.memory_space<vmem>>, %arg7: memref<1000x128xf32, #tpu.memory_space<vmem>>) attributes {dimension_semantics = [#tpu.dimension_semantics<arbitrary>], iteration_bounds = array<i64: 10>, scalar_prefetch = 0 : i64, scratch_operands = 0 : i64, tpu.core_type = #tpu.core_type<tc>, window_params = [{transform_indices = @transform_0, window_bounds = array<i64: 1000, 128>}, {transform_indices = @transform_1, window_bounds = array<i64: 2, 1000, 128>}, {pipeline_mode = #tpu.pipeline_mode<synchronous>, transform_indices = @transform_2, window_bounds = array<i64: 128, 256>}, {pipeline_mode = #tpu.pipeline_mode<synchronous>, transform_indices = @transform_3, window_bounds = array<i64: 1, 256>}, {pipeline_mode = #tpu.pipeline_mode<synchronous>, transform_indices = @transform_4, window_bounds = array<i64: 256, 128>}, {pipeline_mode = #tpu.pipeline_mode<synchronous>, transform_indices = @transform_5, window_bounds = array<i64: 1, 128>}, {transform_indices = @transform_6, window_bounds = array<i64: 1000, 128>}]} {
    %get3A = arith.constant 0 : index
    %get3A_0 = arith.constant 0 : index
    %get3A_1 = vector.load %arg1[%get3A, %get3A_0] : memref<1000x128xf32, #tpu.memory_space<vmem>>, vector<1000x128xf32>
    %get3A_2 = arith.constant 0 : index
    %get3A_3 = arith.constant 0 : index
    %get3A_4 = arith.constant 0 : index
    %get3A_5 = vector.load %arg2[%get3A_2, %get3A_3, %get3A_4] : memref<2x1000x128xf32, #tpu.memory_space<vmem>>, vector<1x1000x128xf32>
    %get3A_6 = vector.shape_cast %get3A_5 : vector<1x1000x128xf32> to vector<1000x128xf32>
    %add3A = arith.addf %get3A_1, %get3A_6 : vector<1000x128xf32>
    %get3A_7 = arith.constant 1 : index
    %get3A_8 = arith.constant 0 : index
    %get3A_9 = arith.constant 0 : index
    %get3A_10 = vector.load %arg2[%get3A_7, %get3A_8, %get3A_9] : memref<2x1000x128xf32, #tpu.memory_space<vmem>>, vector<1x1000x128xf32>
    %get3A_11 = vector.shape_cast %get3A_10 : vector<1x1000x128xf32> to vector<1000x128xf32>
    %add3A_12 = arith.addf %add3A, %get3A_11 : vector<1000x128xf32>
    %convert_element_type3A = arith.truncf %add3A_12 : vector<1000x128xf32> to vector<1000x128xbf16>
    %get3A_13 = arith.constant 0 : index
    %get3A_14 = arith.constant 0 : index
    %get3A_15 = vector.load %arg3[%get3A_13, %get3A_14] : memref<128x256xbf16, #tpu.memory_space<vmem>>, vector<128x256xbf16>
    %dot_general3A = arith.constant dense<0.000000e+00> : vector<1000x256xf32>
    %dot_general3A_16 = tpu.matmul %convert_element_type3A, %get3A_15, %dot_general3A {dimension_numbers = #tpu.dot_dimension_numbers<[1], [0], [0], [1], [0, 0, 1, 1], [], []>, transpose_lhs_hint = false} : vector<1000x128xbf16>, vector<128x256xbf16>, vector<1000x256xf32> -> vector<1000x256xf32>
    %get3A_17 = arith.constant 0 : index
    %get3A_18 = arith.constant 0 : index
    %get3A_19 = vector.load %arg4[%get3A_17, %get3A_18] : memref<1x256xf32, #tpu.memory_space<vmem>>, vector<1x256xf32>
    %add3A_20 = vector.broadcast %get3A_19 : vector<1x256xf32> to vector<1000x256xf32>
    %add3A_21 = arith.addf %dot_general3A_16, %add3A_20 : vector<1000x256xf32>
    %max3A = arith.constant 0.000000e+00 : f32
    %max3A_22 = vector.broadcast %max3A : f32 to vector<1000x256xf32>
    %max3A_23 = arith.maximumf %add3A_21, %max3A_22 : vector<1000x256xf32>
    %convert_element_type3A_24 = arith.truncf %max3A_23 : vector<1000x256xf32> to vector<1000x256xbf16>
    %get3A_25 = arith.constant 0 : index
    %get3A_26 = arith.constant 0 : index
    %get3A_27 = vector.load %arg5[%get3A_25, %get3A_26] : memref<256x128xbf16, #tpu.memory_space<vmem>>, vector<256x128xbf16>
    %dot_general3A_28 = arith.constant dense<0.000000e+00> : vector<1000x128xf32>
    %dot_general3A_29 = tpu.matmul %convert_element_type3A_24, %get3A_27, %dot_general3A_28 {dimension_numbers = #tpu.dot_dimension_numbers<[1], [0], [0], [1], [0, 0, 1, 1], [], []>, transpose_lhs_hint = false} : vector<1000x256xbf16>, vector<256x128xbf16>, vector<1000x128xf32> -> vector<1000x128xf32>
    %get3A_30 = arith.constant 0 : index
    %get3A_31 = arith.constant 0 : index
    %get3A_32 = vector.load %arg6[%get3A_30, %get3A_31] : memref<1x128xf32, #tpu.memory_space<vmem>>, vector<1x128xf32>
    %add3A_33 = vector.broadcast %get3A_32 : vector<1x128xf32> to vector<1000x128xf32>
    %add3A_34 = arith.addf %dot_general3A_29, %add3A_33 : vector<1000x128xf32>
    %max3A_35 = arith.constant 0.000000e+00 : f32
    %max3A_36 = vector.broadcast %max3A_35 : f32 to vector<1000x128xf32>
    %max3A_37 = arith.maximumf %add3A_34, %max3A_36 : vector<1000x128xf32>
    %swap3A = arith.constant 0 : index
    %swap3A_38 = arith.constant 0 : index
    %swap3A_39 = vector.load %arg7[%swap3A, %swap3A_38] : memref<1000x128xf32, #tpu.memory_space<vmem>>, vector<1000x128xf32>
    tpu.vector_store %arg7[%swap3A, %swap3A_38], %max3A_37 {strides = array<i32>} : memref<1000x128xf32, #tpu.memory_space<vmem>>, vector<1000x128xf32>,
    return
  }
  func.func @transform_0(%arg0: i32) -> (i32, i32) {
    %c0_i32 = arith.constant 0 : i32
    %c0_i32_0 = arith.constant 0 : i32
    return %arg0, %c0_i32 : i32, i32
  }
  func.func @transform_1(%arg0: i32) -> (i32, i32, i32) {
    %c0_i32 = arith.constant 0 : i32
    %c0_i32_0 = arith.constant 0 : i32
    %c0_i32_1 = arith.constant 0 : i32
    return %c0_i32, %arg0, %c0_i32_0 : i32, i32, i32
  }
  func.func @transform_2(%arg0: i32) -> (i32, i32) {
    %c0_i32 = arith.constant 0 : i32
    %c0_i32_0 = arith.constant 0 : i32
    %c0_i32_1 = arith.constant 0 : i32
    return %c0_i32, %c0_i32_0 : i32, i32
  }
  func.func @transform_3(%arg0: i32) -> (i32, i32) {
    %c0_i32 = arith.constant 0 : i32
    %c0_i32_0 = arith.constant 0 : i32
    %c0_i32_1 = arith.constant 0 : i32
    return %c0_i32, %c0_i32_0 : i32, i32
  }
  func.func @transform_4(%arg0: i32) -> (i32, i32) {
    %c0_i32 = arith.constant 0 : i32
    %c0_i32_0 = arith.constant 0 : i32
    %c0_i32_1 = arith.constant 0 : i32
    return %c0_i32, %c0_i32_0 : i32, i32
  }
  func.func @transform_5(%arg0: i32) -> (i32, i32) {
    %c0_i32 = arith.constant 0 : i32
    %c0_i32_0 = arith.constant 0 : i32
    %c0_i32_1 = arith.constant 0 : i32
    return %c0_i32, %c0_i32_0 : i32, i32
  }
  func.func @transform_6(%arg0: i32) -> (i32, i32) {
    %c0_i32 = arith.constant 0 : i32
    %c0_i32_0 = arith.constant 0 : i32
    return %arg0, %c0_i32 : i32, i32
  }
}

</mosaic_0001>

<sc_bundles>
// kernel: kernel.4.cloned.1.call-start
scs
__scs_entry_jumppad:
0x0: {  	(pc) =	sbr.rel $0x88, $3  }
0x1: {  	(tag) =	ssettag $0x0;
	lr =	simm.s32 $0x1  }
0x2: {  	[smem:$0x3F9A] =	sst lr;
	_ =	strace $0xD0000000  }
0x3: {  	_ = 	snop  }
0x4: {  	_ = 	snop  }
0x5: {  	_ = 	snop  }
0x6: {  	_ = 	snop  }
0x7: {  	_ = 	snop  }
__scs_overlays_trampoline_lowered:
0x8: {  	[smem:$0x3FA9] =	sst s0  }
0x9: {  	[smem:$0x3FAA] =	sst s1  }
0xa: {  	[smem:$0x3FAB] =	sst s2  }
0xb: {  	[smem:$0x3FAC] =	sst s3  }
0xc: {  	[smem:$0x3FAD] =	sst s4  }
0xd: {  	[smem:$0x3FAE] =	sst s5  }
0xe: {  	[smem:$0x3FAF] =	sst s6  }
0xf: {  	[smem:$0x3FB0] =	sst s7  }
0x10: {  	[smem:$0x3FB1] =	sst s8  }
0x11: {  	[smem:$0x3FB2] =	sst s9;
	s0 =	simm.s32 @!p0 $0x0  }
0x12: {  	s1 =	sld [smem:$0x3F98];
	s0 =	simm.s32 @p0 $0x1  }
0x13: {  	[smem:$0x3FB3] =	sst s0;
	s0 =	simm.s32 @!p1 $0x0  }
0x14: {  	s2 =	sld [smem:$0x3F97];
	s0 =	simm.s32 @p1 $0x1  }
0x15: {  	[smem:$0x3FB4] =	sst s0;
	s0 =	simm.s32 @!p2 $0x0  }
0x16: {  	s3 =	sld [smem:$0x3FDB];
	s0 =	simm.s32 @p2 $0x1  }
0x17: {  	s4 =	simm.s32 $0x1BF5;
	[smem:$0x3FB6] =	sst s0  }
0x18: {  	s0 =	sld [smem:$0x3F99];
	_ =	swait.ge [sflag:s4], $0x0  }
0x19: {  	s7 =	sld [smem:$0x3F9A]  }
0x1a: {  	s8 =	sadd.s32 $0xFFFFE003, lr  }
0x1b: {  	s9 =	sadd.s32 $0xFFFFFEF7, lr;
	s5 =	simm.s32 $0xFFFFFFFF;
	p2 =	slt.u32 s8, $0xFFFFF086  }
0x1c: {  	p1 =	slt.u32 s9, $0xF7A;
	s5 =	simm.s32 @!p2 $0x0  }
0x1d: {  	s5 =	simm.s32 @p1 $0x1;
	p0 =	seq.s32 s7, s2  }
0x1e: {  	s7 =	smul.u32 @!p0 $0xF7A, s2;
	p2 =	seq.s32 @!p0 s5, $0x0  }
0x1f: {  	s9 =	smul.u32 $0xF7A, s1;
	s8 =	simm.s32 @!p0 $0x1BF5;
	p2 =	por !p2, p0  }
0x20: {  	[sflag:s8] =	ssyncset.s32 @!p0 $0xFFFFF086;
	s6 =	sadd.s32 @!p0 s3, s7;
	s7 =	simm.s32 @!p0 $0x108  }
0x21: {  	s3 =	sadd.s32 s3, s9;
	s6 =	sadd.s32 @!p0 $0x88, s6;
	s7 =	simm.s32 @p2 $0x1082  }
0x22: {  	[simem:s7], [sflag:s8] =	dma.local @!p0 [hbm:s6], $0xF7A  }
0x23: {  	s9 =	sor.u32 $0xD0000000, s2;
	s6 =	simm.s32 $0x108;
	_ =	swait.ge @!p0 [sflag:s8], $0x0  }
0x24: {  	s3 =	sadd.s32 $0x88, s3;
	s6 =	simm.s32 @!p1 $0x1082;
	[sflag:s4] =	ssyncset.s32 $0xFFFFF086  }
0x25: {  	[simem:s6], [sflag:s4] =	dma.local [hbm:s3], $0xF7A  }
0x26: {  	[smem:$0x3F9A] =	sst s1;
	(tag) =	ssettag s2;
	_ =	strace s9  }
0x27: {  	s1 =	sld [smem:$0x3FAA]  }
0x28: {  	s2 =	sld [smem:$0x3FAB]  }
0x29: {  	s4 =	sld [smem:$0x3FAD]  }
0x2a: {  	p0 =	seq.s32 s5, $0x0;
	s5 =	sld [smem:$0x3FAE]  }
0x2b: {  	s6 =	sld [smem:$0x3FAF]  }
0x2c: {  	s7 =	sld [smem:$0x3FB0]  }
0x2d: {  	s3 =	simm.s32 $0x108;
	s8 =	sld [smem:$0x3FB1]  }
0x2e: {  	s3 =	simm.s32 @!p0 $0x1082;
	s9 =	sld [smem:$0x3FB2]  }
0x2f: {  	lr =	sadd.s32 s0, s3;
	s0 =	sld [smem:$0x3FA9]  }
0x30: {  	s3 =	sld [smem:$0x3FAC]  }
0x31: {  	[smem:$0x3FB5] =	sst s10  }
0x32: {  	s10 =	sld [smem:$0x3FB3];
	_ =	sdelay $0x3  }
0x33: {  	p0 =	seq.s32 s10, $0x1;
	s10 =	sld [smem:$0x3FB5];
	_ =	sdelay $0x3  }
0x34: {  	[smem:$0x3FB5] =	sst s10  }
0x35: {  	s10 =	sld [smem:$0x3FB4];
	_ =	sdelay $0x3  }
0x36: {  	p1 =	seq.s32 s10, $0x1;
	s10 =	sld [smem:$0x3FB5];
	_ =	sdelay $0x3  }
0x37: {  	[smem:$0x3FB5] =	sst s10  }
0x38: {  	s10 =	sld [smem:$0x3FB6]  }
0x39: {  	_ = 	snop;
	(pc) =	sbr.ind lr, $3  }
0x3a: {  	_ = 	snop  }
0x3b: {  	_ = 	snop  }
0x3c: {  	p2 =	seq.s32 s10, $0x1;
	s10 =	sld [smem:$0x3FB5]  }
0x3d: {  	_ =	shalt  }
0x3e: {  	_ =	shalt  }
0x3f: {  	_ =	shalt  }
0x40: {  	_ =	shalt  }
0x41: {  	_ =	shalt  }
0x42: {  	_ =	shalt  }
0x43: {  	_ =	shalt  }
0x44: {  	_ =	shalt  }
0x45: {  	_ =	shalt  }
0x46: {  	_ =	shalt  }
0x47: {  	_ =	shalt  }
0x48: {  	_ =	shalt  }
0x49: {  	_ =	shalt  }
0x4a: {  	_ =	shalt  }
0x4b: {  	_ =	shalt  }
0x4c: {  	_ =	shalt  }
0x4d: {  	_ =	shalt  }
0x4e: {  	_ =	shalt  }
0x4f: {  	_ =	shalt  }
0x50: {  	_ =	shalt  }
0x51: {  	_ =	shalt  }
0x52: {  	_ =	shalt  }
0x53: {  	_ =	shalt  }
0x54: {  	_ =	shalt  }
0x55: {  	_ =	shalt  }
0x56: {  	_ =	shalt  }
0x57: {  	_ =	shalt  }
0x58: {  	_ =	shalt  }
0x59: {  	_ =	shalt  }
0x5a: {  	_ =	shalt  }
0x5b: {  	_ =	shalt  }
0x5c: {  	_ =	shalt  }
0x5d: {  	_ =	shalt  }
0x5e: {  	_ =	shalt  }
0x5f: {  	_ =	shalt  }
0x60: {  	_ =	shalt  }
0x61: {  	_ =	shalt  }
0x62: {  	_ =	shalt  }
0x63: {  	_ =	shalt  }
0x64: {  	_ =	shalt  }
0x65: {  	_ =	shalt  }
0x66: {  	_ =	shalt  }
0x67: {  	_ =	shalt  }
0x68: {  	_ =	shalt  }
0x69: {  	_ =	shalt  }
0x6a: {  	_ =	shalt  }
0x6b: {  	_ =	shalt  }
0x6c: {  	_ =	shalt  }
0x6d: {  	_ =	shalt  }
0x6e: {  	_ =	shalt  }
0x6f: {  	_ =	shalt  }
0x70: {  	_ =	shalt  }
0x71: {  	_ =	shalt  }
0x72: {  	_ =	shalt  }
0x73: {  	_ =	shalt  }
0x74: {  	_ =	shalt  }
0x75: {  	_ =	shalt  }
0x76: {  	_ =	shalt  }
0x77: {  	_ =	shalt  }
0x78: {  	_ =	shalt  }
0x79: {  	_ =	shalt  }
0x7a: {  	_ =	shalt  }
0x7b: {  	_ =	shalt  }
0x7c: {  	_ =	shalt  }
0x7d: {  	_ =	shalt  }
0x7e: {  	_ =	shalt  }
0x7f: {  	_ =	shalt  }
0x80: {  	_ =	shalt  }
0x81: {  	_ =	shalt  }
0x82: {  	_ =	shalt  }
0x83: {  	_ =	shalt  }
0x84: {  	_ =	shalt  }
0x85: {  	_ =	shalt  }
0x86: {  	_ =	shalt  }
0x87: {  	_ =	shalt  }
.Lfunc_end0:
.L_simem_size_0:
called_computation_lowered:
.L_overlay_start_0:
0x88: {  	s2 =	sld [smem:$0x3FD9]  }
0x89: {  	s3 =	sld [smem:$0x3FFE];
	_ =	sdelay $0x1  }
0x8a: {  	s1 =	srdreg.scid  }
0x8b: {  	s0 =	sand.u32 $0x1, s1  }
0x8c: {  	s17 =	sshll.u32 s0, $0xA;
	s2 =	sadd.s32 s3, s2  }
0x8d: {  	s2 =	sadd.s32 s2, s17  }
0x8e: {  	[smem:$0x3FC1] =	sst s2  }
0x8f: {  	_ = 	snop  }
0x90: {  	s2 =	sld [smem:$0x3FC9]  }
0x91: {  	s18 =	sld [smem:$0x3FC7]  }
0x92: {  	s4 =	sld [smem:$0x3FD0];
	(tm) =	ssettm $0x1  }
0x93: {  	s5 =	sld [smem:$0x3FFB];
	_ =	sdelay $0x3  }
0x94: {  	_ =	strace s5  }
0x95: {  	s5 =	sld [smem:$0x3FFC];
	_ =	sdelay $0x3  }
0x96: {  	_ =	strace s5  }
0x97: {  	s5 =	sld [smem:$0x3FFD];
	_ =	sdelay $0x3  }
0x98: {  	_ =	strace s5  }
0x99: {  	_ =	strace $0x8FFFFFFF  }
0x9a: {  	s19 =	sld [smem:$0x3FDB];
	_ =	sdelay $0x1  }
0x9b: {  	s6 =	simm.s32 $_scs_section_size  }
0x9c: {  	s7 =	simm.s32 $_size__tile_overlayer_lowered;
	s8 =	simm.s32 $_tile_overlayer_lowered  }
0x9d: {  	s22 =	simm.s32 $0x1BFF;
	s21 =	sshll.u32 s8, $0x1;
	s5 =	sadd.s32 s6, s19  }
0x9e: {  	s9 =	simm.s32 $0x0;
	s20 =	sshll.u32 s7, $0x1;
	s7 =	sadd.s32 s21, s5  }
0x9f: {  	[timem:s9], [sflag:s22] =	dma.local [hbm:s7], s20  }
0xa0: {  	_ =	swait.ge [sflag:s22], s20  }
0xa1: {  	s6 =	ssub.s32 $0x0, s20;
	[sflag:s22] =	ssyncset.done $0x0  }
0xa2: {  	[sflag:s22] =	ssyncadd.s32 s6;
	_ =	sdelay $0x1  }
0xa3: {  	s23 =	simm.s32 $0x1B8B  }
0xa4: {  	_ =	swait.ge [sflag:s23], $0x1  }
0xa5: {  	[sflag:s23] =	ssyncset.done $0x0  }
0xa6: {  	s25 =	simm.s32 $0x1B8E;
	s24 =	sld [smem:$0x3FFE];
	[sflag:s23] =	ssyncadd.s32 $0xFFFFFFFF  }
0xa7: {  	s26 =	simm.s32 $execute0_lowered;
	[smem:$0x3FD2] =	sst s25  }
0xa8: {  	s7 =	sshll.u32 s26, $0x1;
	_ =	strace $0x80000046;
	[dreg:$0x1] =	wrdreg $0xFFFFFFFF  }
0xa9: {  	s28 =	simm.s32 $_size_execute0_lowered;
	s5 =	sadd.s32 s5, s7;
	[dreg:$0x0] =	wrdreg $0x0  }
0xaa: {  	s7 =	sshll.u32 s28, $0x1;
	[dreg:$0x2] =	wrdreg s5  }
0xab: {  	[dreg:$0x3] =	wrdreg s7  }
0xac: {  	[dreg:$0x4] =	wrdreg $0xC0  }
0xad: {  	_ =	task [dreg:s9], $0x5FFFF  }
0xae: {  	[dreg:$0x1] =	wrdreg $0xFFFFFFFF  }
0xaf: {  	[dreg:$0x0] =	wrdreg $0x60  }
0xb0: {  	[dreg:$0x2] =	wrdreg s2  }
0xb1: {  	[dreg:$0x3] =	wrdreg s4  }
0xb2: {  	[dreg:$0x4] =	wrdreg s24  }
0xb3: {  	[dreg:$0x5] =	wrdreg s18  }
0xb4: {  	[dreg:$0x6] =	wrdreg $0xA0000  }
0xb5: {  	[dreg:$0x7] =	wrdreg $0x9  }
0xb6: {  	_ =	task.clear_ibuf [dreg:s9], $0x8FFFF;
	_ =	strace $0x90000046  }
0xb7: {  	s29 =	simm.s32 $0x9;
	_ =	strace $0x80000048  }
0xb8: {  	_ =	swait.ge [sflag:s29], $0x1  }
0xb9: {  	[sflag:s29] =	ssyncadd.s32 $0xFFFFFFFF  }
0xba: {  	_ =	strace $0x90000048  }
0xbb: {  	_ =	sfence  }
0xbc: {  	s30 =	sld [smem:$0x0];
	_ =	sdelay $0x2  }
0xbd: {  	s31 =	sshll.u32 s1, $0xD;
	s1 =	sshrl.u32 s1, $0x2  }
0xbe: {  	s3 =	sand.u32 $0x4000, s31;
	s1 =	sadd.s32 s1, s30  }
0xbf: {  	s0 =	sor.u32 s3, s0;
	s1 =	sshll.u32 s1, $0x11  }
0xc0: {  	s0 =	sor.u32 s1, s0  }
0xc1: {  	s0 =	sadd.s32 $0x8F2B, s0  }
0xc2: {  	[sflag:s0] =	ssyncadd.remote.s32 $0x1  }
0xc3: {  	_ =	sfence.sel $0xFFFF  }
0xc4: {  	[dreg:$0x0] =	wrdreg $0xFFFFFFFF;
	(pc) =	sbr.abs _section_cstart, $3  }
0xc5: {  	[dreg:$0x1] =	wrdreg $0xFFFFFFFF  }
0xc6: {  	_ =	task.clear_ibuf [dreg:s9], $0x2FFFF;
	_ =	strace $0x9FFFFFFF  }
0xc7: {  	(tm) =	ssettm $0x7FFFFFFF  }
tec
execute0_lowered:
.L_overlay_start_1:
0x0: {  	(tag) =	ssettag $0x1  }
0x1: {  	s1 =	rddreg [dreg:$0x0]  }
0x2: {  	s2 =	rddreg [dreg:$0x1];
	s3 =	srdreg.scid  }
0x3: {  	s0 =	stileid.u32;
	s5 =	rddreg [dreg:$0x2];
	s11 =	simm.s32 $0x0  }
0x4: {  	s14 =	simm.s32 $0x400;
	s16 =	simm.s32 $0x5;
	s17 =	simm.s32 $0x6  }
0x5: {  	s19 =	simm.s32 $0x28;
	s20 =	simm.s32 $0x5000;
	s21 =	simm.s32 $0x1  }
0x6: {  	s22 =	simm.s32 $0x3;
	s23 =	simm.s32 $0x8C00;
	s24 =	simm.s32 $0x6400  }
0x7: {  	s28 =	simm.s32 $0x0;
	s6 =	sand.u32 $0x1, s3;
	s25 =	smul.u32 $0x1400, s0  }
0x8: {  	s3 =	rddreg [dreg:$0x3];
	s8 =	sshrl.u32 s0, $0x2;
	s12 =	smul.u32 $0x5000, s0  }
0x9: {  	s4 =	sshll.u32 s0, $0x1;
	[smem:$0x7FF] =	sst s11;
	s8 =	smul.u32 $0x14000, s8  }
0xa: {  	s7 =	sor.u32 s6, s4;
	s4 =	rddreg [dreg:$0x4];
	s10 =	smul.u32 $0x138800, s6  }
0xb: {  	_ =	strace $0x80000047;
	s6 =	ssub.s32 $0x2, s6;
	s9 =	sshll.u32 s7, $0x7  }
0xc: {  	s29 =	smul.u32 $0x27100, s7;
	s30 =	sshrl.u32 s6, $0x1;
	s31 =	sshrl.u32 s12, $0x2  }
0xd: {  	s9 =	sand.u32 $0x380, s9;
	s13 =	ssub.s32 s6, s30;
	s6 =	smul.u32 $0x2710, s7  }
0xe: {  	s11 =	sadd.s32 s31, s4;
	s8 =	sor.u32 s8, s9;
	s9 =	sadd.s32 s25, s10  }
0xf: {  	s10 =	smax.u32 s13, $0x1;
	s13 =	simm.s32 $0x80;
	s8 =	sshrl.u32 s8, $0x3  }
0x10: {  	s25 =	simm.s32 $0x2;
	s9 =	sshrl.u32 s9, $0x3;
	s26 =	sadd.s32 s8, s5  }
0x11: {  	s5 =	sadd.s32 s9, s5;
	s7 =	sadd.s32 s2, s8;
	s9 =	sadd.s32 s3, s29  }
0x12: {  	v0 =	vimm.f32 $0.0e+00;
	s8 =	sadd.s32 $0x800, s26;
	s12 =	sadd.s32 $0xA800, s5;
	s26 =	simm.s32 $0x4  }
.LBB2_1:
0x13: {  	s2 =	simm.s32 $0x0  }
0x14: {  	[tilespmem:s2], [sflag:$0x5] =	stream.strided.gather [hbm4b:s7+s13], $0x2800, s14, s13, $0x38;
	[tilespmem:$0x1D880] =	vst v63  }
0x15: {  	s31 =	simm.s32 $0x2800;
	s5 =	simm.s32 $0x200;
	s2 =	simm.s32 $0x0  }
0x16: {  	[tilespmem:s31], [sflag:$0x6] =	stream.strided.gather [hbm4b:s8+s13], $0x2800, s14, s13, $0x38;
	[tilespmem:$0x1D880] =	vst v63  }
.LBB2_2:
0x17: {  	p0 =	sne.s32 s5, $0x4E00;
	[tilespmem:s2+$0x5070] =	vst v0  }
0x18: {  	[tilespmem:s2+$0x5000] =	vst v0  }
0x19: {  	[tilespmem:s2+$0x5010] =	vst v0  }
.Ltmp0:
0x1a: {  	[tilespmem:s2+$0x5020] =	vst v0;
	(pc) =	sbr.rel @p0 .LBB2_2-.Ltmp0, $4  }
0x1b: {  	[tilespmem:s2+$0x5030] =	vst v0  }
0x1c: {  	[tilespmem:s2+$0x5040] =	vst v0  }
0x1d: {  	[tilespmem:s2+$0x5050] =	vst v0  }
0x1e: {  	[tilespmem:s2+$0x5060] =	vst v0;
	s2 =	sshra.s32 s5, $0x2;
	s5 =	sadd.s32 $0x200, s5  }
0x1f: {  	[tilespmem:s2+$0x5070] =	vst v0  }
0x20: {  	[tilespmem:s2+$0x5000] =	vst v0  }
0x21: {  	[tilespmem:s2+$0x5010] =	vst v0  }
0x22: {  	[tilespmem:s2+$0x5020] =	vst v0  }
0x23: {  	[tilespmem:s2+$0x5030] =	vst v0  }
0x24: {  	[tilespmem:s2+$0x5040] =	vst v0;
	s5 =	sadd.s32 $0x0, s0  }
0x25: {  	[tilespmem:s2+$0x5050] =	vst v0;
	p0 =	sgt.u32 s5, $0xF9  }
0x26: {  	[tilespmem:s2+$0x5060] =	vst v0;
	s2 =	simm.s32 @!p0 $0x5000;
	s30 =	simm.s32 @!p0 $0x7  }
0x27: {  	[spmem:s11] =	stream.linear.scatter @!p0 [tilespmem:s2], [sflag:$0x7], $0x1400, $0x38;
	[tilespmem:$0x1D880] =	vst v63  }
0x28: {  	s29 =	simm.s32 $0x20;
	_ =	swait.ge @!p0 [sflag:s30], $0x1400  }
0x29: {  	s5 =	simm.s32 $0x10;
	s2 =	sadd.s32 $0x14000, s11;
	[sflag:s30] =	ssyncset.done @!p0 $0x0  }
.LBB2_4:
0x2a: {  	s31 =	sadd.s32 s5, s0;
	s5 =	smov.u32 s29;
	s29 =	sadd.s32 $0x10, s29  }
0x2b: {  	[sflag:s30] =	ssyncadd.s32 @!p0 $0xFFFFEC00;
	p1 =	sne.s32 s29, $0x100  }
.Ltmp1:
0x2c: {  	p0 =	sgt.u32 s31, $0xF9;
	(pc) =	sbr.rel @p1 .LBB2_4-.Ltmp1, $4  }
0x2d: {  	s31 =	simm.s32 @!p0 $0x5000;
	s30 =	simm.s32 @!p0 $0x7  }
0x2e: {  	[spmem:s2] =	stream.linear.scatter @!p0 [tilespmem:s31], [sflag:$0x7], $0x1400, $0x38;
	[tilespmem:$0x1D880] =	vst v63  }
0x2f: {  	_ =	swait.ge @!p0 [sflag:s30], $0x1400  }
0x30: {  	s2 =	sadd.s32 $0x14000, s2;
	[sflag:s30] =	ssyncset.done @!p0 $0x0  }
0x31: {  	s5 =	sadd.s32 s5, s0  }
0x32: {  	p1 =	sgt.u32 s5, $0xF9  }
0x33: {  	[sflag:s30] =	ssyncadd.s32 @!p0 $0xFFFFEC00;
	s5 =	simm.s32 @!p1 $0x5000;
	s29 =	simm.s32 @!p1 $0x7  }
0x34: {  	[spmem:s2] =	stream.linear.scatter @!p1 [tilespmem:s5], [sflag:$0x7], $0x1400, $0x38;
	[tilespmem:$0x1D880] =	vst v63  }
0x35: {  	_ =	swait.ge @!p1 [sflag:s29], $0x1400  }
0x36: {  	[sflag:s29] =	ssyncset.done @!p1 $0x0  }
0x37: {  	[sflag:s29] =	ssyncadd.s32 @!p1 $0xFFFFEC00  }
0x38: {  	_ =	swait.ge [sflag:s16], $0x2800  }
0x39: {  	[sflag:s16] =	ssyncset.done $0x0  }
0x3a: {  	[sflag:s16] =	ssyncadd.s32 $0xFFFFD800  }
0x3b: {  	_ =	swait.ge [sflag:s17], $0x2800  }
0x3c: {  	[sflag:s17] =	ssyncset.done $0x0  }
0x3d: {  	[sflag:s17] =	ssyncadd.s32 $0xFFFFD800  }
0x3e: {  	s31 =	simm.s32 $0x7800;
	s29 =	simm.s32 $0x0;
	[bflag:$0x0] =	sbarrier.arrive $0xFFFF  }
0x3f: {  	[tilespmem:s31], [sflag:$0x1] =	stream.linear.gather [hbm4b:s9+s29], $0x1400, $0x38;
	[tilespmem:$0x1D880] =	vst v63  }
0x40: {  	s30 =	simm.s32 $0x0  }
0x41: {  	[tilespmem:s20], [sflag:$0x3] =	stream.indirect.gather [hbm4b:s1+s19], $0x80, s29, s19, $0xb8;
	[tilespmem:$0x1D880] =	vst v63  }
.LBB2_6:
0x42: {  	_ =	swait.ge [sflag:s21], $0x1400  }
0x43: {  	[sflag:s21] =	ssyncset.done $0x0  }
0x44: {  	s2 =	sshll.u32 s30, $0x1;
	[sflag:s21] =	ssyncadd.s32 $0xFFFFEC00  }
0x45: {  	s31 =	sor.u32 $0x1, s2;
	_ =	swait.ge [sflag:s22], $0x1400  }
0x46: {  	p0 =	seq.s32 s30, $0x0;
	s2 =	smul.u32 $0x28, s31;
	[sflag:s22] =	ssyncset.done $0x0  }
0x47: {  	s5 =	simm.s32 @!p0 $0x6;
	[sflag:s22] =	ssyncadd.s32 $0xFFFFEC00  }
0x48: {  	s15 =	sadd.s32 s6, s2;
	_ =	swait.ge @!p0 [sflag:s5], $0x1400  }
0x49: {  	s15 =	sshll.u32 s15, $0x4;
	[sflag:s5] =	ssyncset.done @!p0 $0x0  }
0x4a: {  	s18 =	sadd.s32 s3, s15;
	[sflag:s5] =	ssyncadd.s32 @!p0 $0xFFFFEC00  }
0x4b: {  	[tilespmem:s23], [sflag:$0x2] =	stream.linear.gather [hbm4b:s18+s29], $0x1400, $0x38;
	[tilespmem:$0x1D880] =	vst v63  }
0x4c: {  	_ = 	snop  }
0x4d: {  	[tilespmem:s24], [sflag:$0x4] =	stream.indirect.gather [hbm4b:s1+s19], $0x80, s2, s19, $0xb8;
	[tilespmem:$0x1D880] =	vst v63  }
0x4e: {  	s2 =	simm.s32 $0x0  }
0x4f: {  	v7 =	vld [tilespmem:s2+$0x7800]  }
0x50: {  	v12 =	vld [tilespmem:s2+$0x7810]  }
0x51: {  	v6 =	vld [tilespmem:s2+$0x7820]  }
0x52: {  	v5 =	vld [tilespmem:s2+$0x7830]  }
0x53: {  	v4 =	vld [tilespmem:s2+$0x7840]  }
0x54: {  	v3 =	vld [tilespmem:s2+$0x7850]  }
0x55: {  	v2 =	vld [tilespmem:s2+$0x7860]  }
0x56: {  	v1 =	vld [tilespmem:s2+$0x7870]  }
0x57: {  	v13 =	vld [tilespmem:s2+$0x5000]  }
0x58: {  	v14 =	vld [tilespmem:s2+$0x5010]  }
0x59: {  	v11 =	vld [tilespmem:s2+$0x5020]  }
0x5a: {  	v10 =	vld [tilespmem:s2+$0x5030]  }
0x5b: {  	v9 =	vld [tilespmem:s2+$0x5040]  }
0x5c: {  	v8 =	vld [tilespmem:s2+$0x5050];
	v13 =	vadd.f32 v7, v13  }
0x5d: {  	s5 =	simm.s32 $0x200;
	v12 =	vadd.f32 v12, v14;
	v7 =	vld [tilespmem:s2+$0x5060]  }
.LBB2_7:
0x5e: {  	s15 =	sshra.s32 s5, $0x2;
	p0 =	sne.s32 s5, $0x4E00;
	v13 =	vmax.f32 v13, $0.0e+00;
	v6 =	vadd.f32 v6, v11;
	v11 =	vld [tilespmem:s2+$0x5070]  }
0x5f: {  	v14 =	vld [tilespmem:s15+$0x7800];
	[tilespmem:s2+$0x5000] =	vst v13;
	v12 =	vmax.f32 v12, $0.0e+00;
	v5 =	vadd.f32 v5, v10  }
0x60: {  	v15 =	vld [tilespmem:s15+$0x7810];
	[tilespmem:s2+$0x5010] =	vst v12;
	v10 =	vmax.f32 v6, $0.0e+00;
	v4 =	vadd.f32 v4, v9  }
0x61: {  	v6 =	vld [tilespmem:s15+$0x7820];
	[tilespmem:s2+$0x5020] =	vst v10;
	v9 =	vmax.f32 v5, $0.0e+00;
	v3 =	vadd.f32 v3, v8  }
0x62: {  	v5 =	vld [tilespmem:s15+$0x7830];
	[tilespmem:s2+$0x5030] =	vst v9;
	v8 =	vmax.f32 v4, $0.0e+00;
	v2 =	vadd.f32 v2, v7  }
0x63: {  	v4 =	vld [tilespmem:s15+$0x7840];
	[tilespmem:s2+$0x5040] =	vst v8;
	v7 =	vmax.f32 v3, $0.0e+00;
	v1 =	vadd.f32 v1, v11  }
0x64: {  	v3 =	vld [tilespmem:s15+$0x7850];
	[tilespmem:s2+$0x5050] =	vst v7;
	v7 =	vmax.f32 v2, $0.0e+00  }
0x65: {  	v2 =	vld [tilespmem:s15+$0x7860];
	[tilespmem:s2+$0x5060] =	vst v7;
	v7 =	vmax.f32 v1, $0.0e+00  }
0x66: {  	v1 =	vld [tilespmem:s15+$0x7870];
	[tilespmem:s2+$0x5070] =	vst v7;
	s2 =	smov.u32 s15  }
0x67: {  	v7 =	vld [tilespmem:s2+$0x5000]  }
0x68: {  	v12 =	vld [tilespmem:s2+$0x5010]  }
.Ltmp2:
0x69: {  	v11 =	vld [tilespmem:s2+$0x5020];
	(pc) =	sbr.rel @p0 .LBB2_7-.Ltmp2, $4  }
0x6a: {  	v10 =	vld [tilespmem:s2+$0x5030]  }
0x6b: {  	v9 =	vld [tilespmem:s2+$0x5040]  }
0x6c: {  	v13 =	vadd.f32 v14, v7;
	v8 =	vld [tilespmem:s2+$0x5050]  }
0x6d: {  	s5 =	sadd.s32 $0x200, s5;
	v12 =	vadd.f32 v15, v12;
	v7 =	vld [tilespmem:s2+$0x5060]  }
0x6e: {  	v13 =	vmax.f32 v13, $0.0e+00;
	v6 =	vadd.f32 v6, v11;
	v11 =	vld [tilespmem:s2+$0x5070]  }
0x6f: {  	[tilespmem:s2+$0x5000] =	vst v13;
	v12 =	vmax.f32 v12, $0.0e+00;
	v5 =	vadd.f32 v5, v10  }
0x70: {  	[tilespmem:s2+$0x5010] =	vst v12;
	v6 =	vmax.f32 v6, $0.0e+00;
	v4 =	vadd.f32 v4, v9  }
0x71: {  	[tilespmem:s2+$0x5020] =	vst v6;
	v5 =	vmax.f32 v5, $0.0e+00;
	v3 =	vadd.f32 v3, v8  }
0x72: {  	[tilespmem:s2+$0x5030] =	vst v5;
	v4 =	vmax.f32 v4, $0.0e+00;
	v2 =	vadd.f32 v2, v7  }
0x73: {  	s5 =	smul.u32 $0x140, s30;
	[tilespmem:s2+$0x5040] =	vst v4;
	v3 =	vmax.f32 v3, $0.0e+00;
	v1 =	vadd.f32 v1, v11  }
0x74: {  	[tilespmem:s2+$0x5050] =	vst v3;
	v2 =	vmax.f32 v2, $0.0e+00  }
0x75: {  	s5 =	sshra.s32 s5, $0x2;
	[tilespmem:s2+$0x5060] =	vst v2;
	v1 =	vmax.f32 v1, $0.0e+00  }
0x76: {  	s18 =	sadd.s32 $0x2800, s5;
	[tilespmem:s2+$0x5070] =	vst v1  }
0x77: {  	[spmem:s4] =	stream.indirect.scatter.add.f32 [tilespmem:s20], [sflag:$0x5], $0x80, s18, s19, $0xb8;
	[tilespmem:$0x1D880] =	vst v63  }
0x78: {  	_ =	swait.ge [sflag:s25], $0x1400  }
0x79: {  	[sflag:s25] =	ssyncset.done $0x0  }
0x7a: {  	p0 =	seq.s32 s30, $0x7C;
	[sflag:s25] =	ssyncadd.s32 $0xFFFFEC00  }
0x7b: {  	s2 =	smul.u32 @!p0 $0x50, s30;
	_ =	swait.ge [sflag:s26], $0x1400  }
0x7c: {  	[sflag:s26] =	ssyncset.done $0x0  }
0x7d: {  	s2 =	sadd.s32 @!p0 $0x50, s2;
	[sflag:s26] =	ssyncadd.s32 $0xFFFFEC00  }
0x7e: {  	s5 =	sadd.s32 @!p0 s6, s2;
	_ =	swait.ge [sflag:s16], $0x1400  }
0x7f: {  	s15 =	simm.s32 @!p0 $0x0;
	s5 =	sshll.u32 @!p0 s5, $0x4;
	[sflag:s16] =	ssyncset.done $0x0  }
0x80: {  	s18 =	simm.s32 @!p0 $0x7800;
	s5 =	sadd.s32 @!p0 s3, s5;
	[sflag:s16] =	ssyncadd.s32 $0xFFFFEC00  }
0x81: {  	[tilespmem:s18], [sflag:$0x1] =	stream.linear.gather @!p0 [hbm4b:s5+s15], $0x1400, $0x38;
	[tilespmem:$0x1D880] =	vst v63  }
0x82: {  	s5 =	simm.s32 @!p0 $0x28;
	s15 =	simm.s32 @!p0 $0x5000  }
0x83: {  	[tilespmem:s15], [sflag:$0x3] =	stream.indirect.gather @!p0 [hbm4b:s1+s5], $0x80, s2, s5, $0xb8;
	[tilespmem:$0x1D880] =	vst v63  }
0x84: {  	s2 =	simm.s32 $0x0  }
0x85: {  	v7 =	vld [tilespmem:s2+$0x8C00]  }
0x86: {  	v12 =	vld [tilespmem:s2+$0x8C10]  }
0x87: {  	v6 =	vld [tilespmem:s2+$0x8C20]  }
0x88: {  	v5 =	vld [tilespmem:s2+$0x8C30]  }
0x89: {  	v4 =	vld [tilespmem:s2+$0x8C40]  }
0x8a: {  	v3 =	vld [tilespmem:s2+$0x8C50]  }
0x8b: {  	v2 =	vld [tilespmem:s2+$0x8C60]  }
0x8c: {  	v1 =	vld [tilespmem:s2+$0x8C70]  }
0x8d: {  	v13 =	vld [tilespmem:s2+$0x6400]  }
0x8e: {  	v14 =	vld [tilespmem:s2+$0x6410]  }
0x8f: {  	v11 =	vld [tilespmem:s2+$0x6420]  }
0x90: {  	v10 =	vld [tilespmem:s2+$0x6430]  }
0x91: {  	v9 =	vld [tilespmem:s2+$0x6440]  }
0x92: {  	v8 =	vld [tilespmem:s2+$0x6450];
	v13 =	vadd.f32 v7, v13  }
0x93: {  	s5 =	simm.s32 $0x200;
	v12 =	vadd.f32 v12, v14;
	v7 =	vld [tilespmem:s2+$0x6460]  }
.LBB2_9:
0x94: {  	s15 =	sshra.s32 s5, $0x2;
	p0 =	sne.s32 s5, $0x4E00;
	v13 =	vmax.f32 v13, $0.0e+00;
	v6 =	vadd.f32 v6, v11;
	v11 =	vld [tilespmem:s2+$0x6470]  }
0x95: {  	v14 =	vld [tilespmem:s15+$0x8C00];
	[tilespmem:s2+$0x6400] =	vst v13;
	v12 =	vmax.f32 v12, $0.0e+00;
	v5 =	vadd.f32 v5, v10  }
0x96: {  	v15 =	vld [tilespmem:s15+$0x8C10];
	[tilespmem:s2+$0x6410] =	vst v12;
	v10 =	vmax.f32 v6, $0.0e+00;
	v4 =	vadd.f32 v4, v9  }
0x97: {  	v6 =	vld [tilespmem:s15+$0x8C20];
	[tilespmem:s2+$0x6420] =	vst v10;
	v9 =	vmax.f32 v5, $0.0e+00;
	v3 =	vadd.f32 v3, v8  }
0x98: {  	v5 =	vld [tilespmem:s15+$0x8C30];
	[tilespmem:s2+$0x6430] =	vst v9;
	v8 =	vmax.f32 v4, $0.0e+00;
	v2 =	vadd.f32 v2, v7  }
0x99: {  	v4 =	vld [tilespmem:s15+$0x8C40];
	[tilespmem:s2+$0x6440] =	vst v8;
	v7 =	vmax.f32 v3, $0.0e+00;
	v1 =	vadd.f32 v1, v11  }
0x9a: {  	v3 =	vld [tilespmem:s15+$0x8C50];
	[tilespmem:s2+$0x6450] =	vst v7;
	v7 =	vmax.f32 v2, $0.0e+00  }
0x9b: {  	v2 =	vld [tilespmem:s15+$0x8C60];
	[tilespmem:s2+$0x6460] =	vst v7;
	v7 =	vmax.f32 v1, $0.0e+00  }
0x9c: {  	v1 =	vld [tilespmem:s15+$0x8C70];
	[tilespmem:s2+$0x6470] =	vst v7;
	s2 =	smov.u32 s15  }
0x9d: {  	v7 =	vld [tilespmem:s2+$0x6400]  }
0x9e: {  	v12 =	vld [tilespmem:s2+$0x6410]  }
.Ltmp3:
0x9f: {  	v11 =	vld [tilespmem:s2+$0x6420];
	(pc) =	sbr.rel @p0 .LBB2_9-.Ltmp3, $4  }
0xa0: {  	v10 =	vld [tilespmem:s2+$0x6430]  }
0xa1: {  	v9 =	vld [tilespmem:s2+$0x6440]  }
0xa2: {  	v13 =	vadd.f32 v14, v7;
	v8 =	vld [tilespmem:s2+$0x6450]  }
0xa3: {  	s5 =	sadd.s32 $0x200, s5;
	v12 =	vadd.f32 v15, v12;
	v7 =	vld [tilespmem:s2+$0x6460]  }
0xa4: {  	v13 =	vmax.f32 v13, $0.0e+00;
	v6 =	vadd.f32 v6, v11;
	v63 =	vld [tilespmem:s2+$0x6470]  }
0xa5: {  	[tilespmem:s2+$0x6400] =	vst v13;
	v12 =	vmax.f32 v12, $0.0e+00;
	v5 =	vadd.f32 v5, v10  }
0xa6: {  	[tilespmem:s2+$0x6410] =	vst v12;
	v6 =	vmax.f32 v6, $0.0e+00;
	v4 =	vadd.f32 v4, v9  }
0xa7: {  	s30 =	sadd.s32 $0x1, s30;
	[tilespmem:s2+$0x6420] =	vst v6;
	v5 =	vmax.f32 v5, $0.0e+00;
	v3 =	vadd.f32 v3, v8  }
0xa8: {  	s5 =	smul.u32 $0xA0, s31;
	p0 =	sne.s32 s30, $0x7D;
	[tilespmem:s2+$0x6430] =	vst v5;
	v4 =	vmax.f32 v4, $0.0e+00;
	v2 =	vadd.f32 v2, v7  }
.Ltmp4:
0xa9: {  	[tilespmem:s2+$0x6440] =	vst v4;
	v3 =	vmax.f32 v3, $0.0e+00;
	v1 =	vadd.f32 v1, v63;
	(pc) =	sbr.rel @p0 .LBB2_6-.Ltmp4, $4  }
0xaa: {  	[tilespmem:s2+$0x6450] =	vst v3;
	v2 =	vmax.f32 v2, $0.0e+00  }
0xab: {  	s5 =	sshra.s32 s5, $0x2;
	[tilespmem:s2+$0x6460] =	vst v2;
	v1 =	vmax.f32 v1, $0.0e+00  }
0xac: {  	s31 =	sadd.s32 $0x2800, s5;
	[tilespmem:s2+$0x6470] =	vst v1  }
0xad: {  	[spmem:s4] =	stream.indirect.scatter.add.f32 [tilespmem:s24], [sflag:$0x6], $0x80, s31, s19, $0xb8;
	[tilespmem:$0x1D880] =	vst v63  }
0xae: {  	_ =	swait.ge [sflag:s17], $0x1400;
	s2 =	sadd.s32 $0x0, s0  }
0xaf: {  	[sflag:s17] =	ssyncset.done $0x0;
	p0 =	sgt.u32 s2, $0xF9  }
0xb0: {  	[sflag:s17] =	ssyncadd.s32 $0xFFFFEC00;
	s2 =	sshll.u32 @!p0 s0, $0x6;
	s5 =	sshrl.u32 @!p0 s11, $0x3  }
0xb1: {  	s30 =	simm.s32 @!p0 $0x7;
	[bflag:$0x0] =	sbarrier.arrive $0xFFFF;
	s2 =	sor.u32 @!p0 $0x1C07, s2  }
0xb2: {  	[hbm:s12], [sflag:s2] =	dma.local @!p0 [spmem:s5], $0x280  }
0xb3: {  	s29 =	simm.s32 $0x20;
	s31 =	sadd.s32 $0x10, s0;
	_ =	swait.ge @!p0 [sflag:s30], $0x280  }
0xb4: {  	s2 =	sadd.s32 $0x14000, s11;
	s5 =	sadd.s32 $0x2800, s12;
	[sflag:s30] =	ssyncset.done @!p0 $0x0  }
.LBB2_12:
0xb5: {  	s15 =	smov.u32 s29;
	s29 =	sadd.s32 $0x10, s29  }
0xb6: {  	[sflag:s30] =	ssyncadd.s32 @!p0 $0xFFFFFD80;
	p0 =	sgt.u32 s31, $0xF9;
	p1 =	sne.s32 s29, $0x100  }
.Ltmp5:
0xb7: {  	s18 =	sshll.u32 @!p0 s0, $0x6;
	s31 =	sshrl.u32 @!p0 s2, $0x3;
	(pc) =	sbr.rel @p1 .LBB2_12-.Ltmp5, $4  }
0xb8: {  	s30 =	simm.s32 @!p0 $0x7;
	s18 =	sor.u32 @!p0 $0x1C07, s18  }
0xb9: {  	[hbm:s5], [sflag:s18] =	dma.local @!p0 [spmem:s31], $0x280  }
0xba: {  	s2 =	sadd.s32 $0x14000, s2;
	_ =	swait.ge @!p0 [sflag:s30], $0x280  }
0xbb: {  	s31 =	sadd.s32 s15, s0;
	s5 =	sadd.s32 $0x2800, s5;
	[sflag:s30] =	ssyncset.done @!p0 $0x0  }
0xbc: {  	p1 =	sgt.u32 s31, $0xF9;
	[sflag:s30] =	ssyncadd.s32 @!p0 $0xFFFFFD80;
	s28 =	sadd.s32 $0x1, s28  }
0xbd: {  	s15 =	sshll.u32 @!p1 s0, $0x6;
	s2 =	sshrl.u32 @!p1 s2, $0x3;
	p0 =	sne.s32 s28, s10  }
.Ltmp6:
0xbe: {  	s18 =	simm.s32 @!p1 $0x7;
	s15 =	sor.u32 @!p1 $0x1C07, s15;
	(pc) =	sbr.rel @p0 .LBB2_1-.Ltmp6, $4  }
0xbf: {  	[hbm:s5], [sflag:s15] =	dma.local @!p1 [spmem:s2], $0x280  }
0xc0: {  	_ =	swait.ge @!p1 [sflag:s18], $0x280  }
0xc1: {  	[sflag:s18] =	ssyncset.done @!p1 $0x0  }
0xc2: {  	[sflag:s18] =	ssyncadd.s32 @!p1 $0xFFFFFD80  }
0xc3: {  	_ =	sfence.sel $0x180000  }
0xc4: {  	[bflag:$0x0] =	sbarrier.arrive $0xFFFF  }
0xc5: {  	_ =	strace $0x90000047  }
0xc6: {  	[bflag:$0x2] =	sbarrier.arrive $0xFFFF  }
0xc7: {  	p0 =	sne.s32 s0, $0x0;
	s0 =	rddreg [dreg:$0x5]  }
0xc8: {  	s0 =	sadd.s32 @!p0 $0x100000, s0  }
0xc9: {  	[sflag:s0] =	ssyncadd.tile.s32 @!p0 $0x1;
	_ =	shalt  }
.Lfunc_end2:
_tile_overlayer_lowered:
.L_overlay_start_2:
0xca: {  	(tag) =	ssettag $0x2  }
0xcb: {  	s0 =	rddreg [dreg:$0x0];
	s2 =	stileid.u32  }
0xcc: {  	s1 =	rddreg [dreg:$0x1];
	p0 =	sne.s32 s2, $0x0  }
0xcd: {  	s3 =	rddreg [dreg:$0x2];
	[bflag:$0x3] =	sbarrier.arrive $0xFFFF;
	s2 =	simm.s32 @!p0 $0x1C07  }
0xce: {  	[timem:s3], [sflag:s2] =	dma.local @!p0 [hbm:s0], s1  }
0xcf: {  	s0 =	simm.s32 @!p0 $0x7  }
0xd0: {  	_ =	swait.ge @!p0 [sflag:s0], s1  }
0xd1: {  	s1 =	ssub.s32 @!p0 $0x0, s1;
	[sflag:s0] =	ssyncset.done @!p0 $0x0  }
0xd2: {  	[sflag:s0] =	ssyncadd.s32 @!p0 s1  }
0xd3: {  	[bflag:$0x3] =	sbarrier.arrive $0xFFFF  }
0xd4: {  	_ =	shalt  }

</sc_bundles>
